<compile_context>
chip_gen: v7x
topology: tpu7x:2x2x1
jax: 0.10.2.dev20260603
libtpu: 0.0.44.dev20260713+nightly
codegen_flags: <defaults>
</compile_context>

<pallas_src>
import functools

import jax
import jax.numpy as jnp
from jax import lax
from jax.experimental import pallas as pl
from jax.experimental.pallas import tpu as pltpu
from jax.experimental.pallas import tpu_sc as plsc

_ROWS, _COLS = 4096, 16384
_NC, _NS = 2, 16
_NW = _NC * _NS
_RPW = _ROWS // _NW
_LANES = 16
_BLK = 4 * _LANES
_BLOCKS = _COLS // _BLK


def _mask_row(in_ref, out_ref):
    ia = lax.iota(jnp.int32, _LANES) * 4
    ib = ia + 1
    ic = ia + 2
    id_ = ia + 3
    one = jnp.float32(1.0)
    zero = jnp.float32(0.0)

    @plsc.parallel_loop(0, in_ref.shape[0] // _BLK, unroll=8)
    def block(blk):
        base = blk * _BLK
        in_blk = in_ref.at[pl.ds(base, _BLK)]
        out_blk = out_ref.at[pl.ds(base, _BLK)]
        a = plsc.load_gather(in_blk, [ia])
        b = plsc.load_gather(in_blk, [ib])
        c = plsc.load_gather(in_blk, [ic])
        d = plsc.load_gather(in_blk, [id_])
        x1 = a >= b
        x6 = c >= d
        h1 = jnp.where(x1, a, b)
        l1 = jnp.where(x1, b, a)
        h2 = jnp.where(x6, c, d)
        l2 = jnp.where(x6, d, c)
        y = h1 >= h2
        u = l1 >= h2
        v = h1 >= l2
        kh1 = y | v
        kl1 = y & u
        h1o = jnp.where(kh1, one, zero)
        l1o = jnp.where(kl1, one, zero)
        h2o = jnp.where(kl1, zero, one)
        l2o = jnp.where(kh1, zero, one)
        plsc.store_scatter(out_blk, [ia], jnp.where(x1, h1o, l1o))
        plsc.store_scatter(out_blk, [ib], jnp.where(x1, l1o, h1o))
        plsc.store_scatter(out_blk, [ic], jnp.where(x6, h2o, l2o))
        plsc.store_scatter(out_blk, [id_], jnp.where(x6, l2o, h2o))


_NSLOT = 4
_CH = _COLS // 2
_NJ = _RPW * 2 // _NSLOT


@functools.partial(
    pl.kernel,
    out_type=jax.ShapeDtypeStruct((_ROWS, _COLS), jnp.float32),
    mesh=plsc.VectorSubcoreMesh(core_axis_name="c", subcore_axis_name="s"),
    compiler_params=pltpu.CompilerParams(needs_layout_passes=False),
    scratch_types=(
        [pltpu.VMEM((_CH,), jnp.float32)] * (2 * _NSLOT)
        + [pltpu.SemaphoreType.DMA] * (2 * _NSLOT)
    ),
)
def _ampere_mask(in_hbm, out_hbm, *bufs_and_sems):
    ibufs = bufs_and_sems[:_NSLOT]
    obufs = bufs_and_sems[_NSLOT:2 * _NSLOT]
    isems = bufs_and_sems[2 * _NSLOT:3 * _NSLOT]
    osems = bufs_and_sems[3 * _NSLOT:]
    wid = lax.axis_index("s") * _NC + lax.axis_index("c")
    row0 = wid * _RPW

    def cref(hbm, j, s):
        return hbm.at[row0 + 2 * j + s // 2, pl.ds((s % 2) * _CH, _CH)]

    for s in range(_NSLOT):
        pltpu.async_copy(cref(in_hbm, 0, s), ibufs[s], isems[s])

    def step(j, carry):
        for s in range(_NSLOT):
            pltpu.make_async_copy(cref(in_hbm, j, s), ibufs[s], isems[s]).wait()

            @pl.when(j > 0)
            def _wait_prev_out():
                pltpu.make_async_copy(
                    obufs[s], cref(out_hbm, j - 1, s), osems[s]
                ).wait()

            _mask_row(ibufs[s], obufs[s])
            pltpu.async_copy(obufs[s], cref(out_hbm, j, s), osems[s])

            @pl.when(j + 1 < _NJ)
            def _prefetch_next_in():
                pltpu.async_copy(cref(in_hbm, j + 1, s), ibufs[s], isems[s])

        return carry

    lax.fori_loop(0, _NJ, step, 0)
    for s in range(_NSLOT):
        pltpu.make_async_copy(obufs[s], cref(out_hbm, _NJ - 1, s), osems[s]).wait()


def kernel(mask_scores, ampere_temperature):
    del ampere_temperature
    return _ampere_mask(mask_scores)

# --- scband reference (transcript-rebuilt; emitter-appended) ---
"""Pipeline reference for scband-ampere-mask-module-41154376630344 (READ-ONLY COPY).

The authoritative reference and input builder live on the scoring server;
editing this copy changes nothing except your own understanding.
"""

import jax, jax.numpy as jnp
import numpy as np

ROWS, COLS = 4096, 16384
AMPERE_N, AMPERE_M = 2, 4


def setup_inputs(seed: int = 0) -> dict:
    key = jax.random.key(seed)
    mask_scores = jax.random.normal(key, (ROWS, COLS), dtype=jnp.float32)
    return {"mask_scores": mask_scores, "ampere_temperature": 1}


def get_final_mask(mask_scores, pattern_n, pattern_m):
    # assert mask_scores.shape[1] % pattern_m == 0
    r, c = mask_scores.shape
    mask_scores_m = mask_scores.reshape(r, c // pattern_m, pattern_m)
    _, top_idx = jax.lax.top_k(mask_scores_m, pattern_n)  # [r, c//m, n]
    # scatter 1.0 at top-k indices within each group of pattern_m
    oh = jax.nn.one_hot(top_idx, pattern_m, dtype=mask_scores_m.dtype)  # [r, c//m, n, m]
    top_mask = jnp.max(oh, axis=-2)  # [r, c//m, m]
    return top_mask.reshape(r, c)


def reference(mask_scores, ampere_temperature):
    # AmpereMaskModule.forward with method='sigmoied_threshold' in eval mode:
    # sigmoied_threshold_mask(mask_scores, threshold, sigmoid, train=False)
    # returns only the 2:4 top-k pattern mask; threshold path is training-only.
    return get_final_mask(mask_scores, AMPERE_N, AMPERE_M)

if __name__ == "__main__":
    import jax
    _d = setup_inputs()
    print(jax.jit(kernel)(*tuple(_d.values())))

</pallas_src>

<mosaic_0001>
#map = affine_map<(d0, d1) -> (0, 0)>
module attributes {stable_mosaic.version = 14 : i64} {
  func.func @_ampere_mask(%arg0: i32, %arg1: i32, %arg2: memref<4096x16384xf32, #tpu.memory_space<hbm>>, %arg3: memref<4096x16384xf32, #tpu.memory_space<hbm>>, %arg4: memref<8192xf32, #tpu.memory_space<vmem>>, %arg5: memref<8192xf32, #tpu.memory_space<vmem>>, %arg6: memref<8192xf32, #tpu.memory_space<vmem>>, %arg7: memref<8192xf32, #tpu.memory_space<vmem>>, %arg8: memref<8192xf32, #tpu.memory_space<vmem>>, %arg9: memref<8192xf32, #tpu.memory_space<vmem>>, %arg10: memref<8192xf32, #tpu.memory_space<vmem>>, %arg11: memref<8192xf32, #tpu.memory_space<vmem>>, %arg12: memref<!tpu.dma_semaphore, #tpu.memory_space<semaphore_mem>>, %arg13: memref<!tpu.dma_semaphore, #tpu.memory_space<semaphore_mem>>, %arg14: memref<!tpu.dma_semaphore, #tpu.memory_space<semaphore_mem>>, %arg15: memref<!tpu.dma_semaphore, #tpu.memory_space<semaphore_mem>>, %arg16: memref<!tpu.dma_semaphore, #tpu.memory_space<semaphore_mem>>, %arg17: memref<!tpu.dma_semaphore, #tpu.memory_space<semaphore_mem>>, %arg18: memref<!tpu.dma_semaphore, #tpu.memory_space<semaphore_mem>>, %arg19: memref<!tpu.dma_semaphore, #tpu.memory_space<semaphore_mem>>) attributes {dimension_semantics = [#tpu.dimension_semantics<core_parallel>, #tpu.dimension_semantics<subcore_parallel>], iteration_bounds = array<i64: 2, 16>, scalar_prefetch = 0 : i64, scratch_operands = 16 : i64, tpu.core_type = #tpu.core_type<sc_vector_subcore>, window_params = [{transform_indices = #map}, {transform_indices = #map}]} {
    %mul3A = arith.constant 2 : i32
    %mul3A_0 = arith.muli %arg1, %mul3A : i32
    %add3A = arith.addi %mul3A_0, %arg0 : i32
    %mul3A_1 = arith.constant 128 : i32
    %mul3A_2 = arith.muli %add3A, %mul3A_1 : i32
    %add3A_3 = arith.constant 0 : i32
    %add3A_4 = arith.addi %mul3A_2, %add3A_3 : i32
    %add3A_5 = arith.constant 0 : i32
    %add3A_6 = arith.addi %add3A_4, %add3A_5 : i32
    %dma_start3A = arith.constant 0 : i32
    %dma_start3A_7 = tpu.memref_slice %arg2[%add3A_6, %dma_start3A] : memref<4096x16384xf32, #tpu.memory_space<hbm>> -> memref<1x8192xf32, #tpu.memory_space<hbm>>
    %dma_start3A_8 = tpu.memref_squeeze %dma_start3A_7 : memref<1x8192xf32, #tpu.memory_space<hbm>> -> memref<8192xf32, #tpu.memory_space<hbm>>
    %dma_start3A_9 = arith.constant 0 : i32
    %dma_start3A_10 = tpu.memref_slice %arg2[%add3A_6, %dma_start3A_9] : memref<4096x16384xf32, #tpu.memory_space<hbm>> -> memref<1x8192xf32, #tpu.memory_space<hbm>>
    %dma_start3A_11 = tpu.memref_squeeze %dma_start3A_10 : memref<1x8192xf32, #tpu.memory_space<hbm>> -> memref<8192xf32, #tpu.memory_space<hbm>>
    tpu.enqueue_dma source(%dma_start3A_11 : memref<8192xf32, #tpu.memory_space<hbm>>) target(%arg4 : memref<8192xf32, #tpu.memory_space<vmem>>) target_semaphore(%arg12 : memref<!tpu.dma_semaphore, #tpu.memory_space<semaphore_mem>>)
    %add3A_12 = arith.constant 0 : i32
    %add3A_13 = arith.addi %mul3A_2, %add3A_12 : i32
    %add3A_14 = arith.constant 0 : i32
    %add3A_15 = arith.addi %add3A_13, %add3A_14 : i32
    %dma_start3A_16 = arith.constant 8192 : i32
    %dma_start3A_17 = tpu.memref_slice %arg2[%add3A_15, %dma_start3A_16] : memref<4096x16384xf32, #tpu.memory_space<hbm>> -> memref<1x8192xf32, #tpu.memory_space<hbm>>
    %dma_start3A_18 = tpu.memref_squeeze %dma_start3A_17 : memref<1x8192xf32, #tpu.memory_space<hbm>> -> memref<8192xf32, #tpu.memory_space<hbm>>
    %dma_start3A_19 = arith.constant 8192 : i32
    %dma_start3A_20 = tpu.memref_slice %arg2[%add3A_15, %dma_start3A_19] : memref<4096x16384xf32, #tpu.memory_space<hbm>> -> memref<1x8192xf32, #tpu.memory_space<hbm>>
    %dma_start3A_21 = tpu.memref_squeeze %dma_start3A_20 : memref<1x8192xf32, #tpu.memory_space<hbm>> -> memref<8192xf32, #tpu.memory_space<hbm>>
    tpu.enqueue_dma source(%dma_start3A_21 : memref<8192xf32, #tpu.memory_space<hbm>>) target(%arg5 : memref<8192xf32, #tpu.memory_space<vmem>>) target_semaphore(%arg13 : memref<!tpu.dma_semaphore, #tpu.memory_space<semaphore_mem>>)
    %add3A_22 = arith.constant 0 : i32
    %add3A_23 = arith.addi %mul3A_2, %add3A_22 : i32
    %add3A_24 = arith.constant 1 : i32
    %add3A_25 = arith.addi %add3A_23, %add3A_24 : i32
    %dma_start3A_26 = arith.constant 0 : i32
    %dma_start3A_27 = tpu.memref_slice %arg2[%add3A_25, %dma_start3A_26] : memref<4096x16384xf32, #tpu.memory_space<hbm>> -> memref<1x8192xf32, #tpu.memory_space<hbm>>
    %dma_start3A_28 = tpu.memref_squeeze %dma_start3A_27 : memref<1x8192xf32, #tpu.memory_space<hbm>> -> memref<8192xf32, #tpu.memory_space<hbm>>
    %dma_start3A_29 = arith.constant 0 : i32
    %dma_start3A_30 = tpu.memref_slice %arg2[%add3A_25, %dma_start3A_29] : memref<4096x16384xf32, #tpu.memory_space<hbm>> -> memref<1x8192xf32, #tpu.memory_space<hbm>>
    %dma_start3A_31 = tpu.memref_squeeze %dma_start3A_30 : memref<1x8192xf32, #tpu.memory_space<hbm>> -> memref<8192xf32, #tpu.memory_space<hbm>>
    tpu.enqueue_dma source(%dma_start3A_31 : memref<8192xf32, #tpu.memory_space<hbm>>) target(%arg6 : memref<8192xf32, #tpu.memory_space<vmem>>) target_semaphore(%arg14 : memref<!tpu.dma_semaphore, #tpu.memory_space<semaphore_mem>>)
    %add3A_32 = arith.constant 0 : i32
    %add3A_33 = arith.addi %mul3A_2, %add3A_32 : i32
    %add3A_34 = arith.constant 1 : i32
    %add3A_35 = arith.addi %add3A_33, %add3A_34 : i32
    %dma_start3A_36 = arith.constant 8192 : i32
    %dma_start3A_37 = tpu.memref_slice %arg2[%add3A_35, %dma_start3A_36] : memref<4096x16384xf32, #tpu.memory_space<hbm>> -> memref<1x8192xf32, #tpu.memory_space<hbm>>
    %dma_start3A_38 = tpu.memref_squeeze %dma_start3A_37 : memref<1x8192xf32, #tpu.memory_space<hbm>> -> memref<8192xf32, #tpu.memory_space<hbm>>
    %dma_start3A_39 = arith.constant 8192 : i32
    %dma_start3A_40 = tpu.memref_slice %arg2[%add3A_35, %dma_start3A_39] : memref<4096x16384xf32, #tpu.memory_space<hbm>> -> memref<1x8192xf32, #tpu.memory_space<hbm>>
    %dma_start3A_41 = tpu.memref_squeeze %dma_start3A_40 : memref<1x8192xf32, #tpu.memory_space<hbm>> -> memref<8192xf32, #tpu.memory_space<hbm>>
    tpu.enqueue_dma source(%dma_start3A_41 : memref<8192xf32, #tpu.memory_space<hbm>>) target(%arg7 : memref<8192xf32, #tpu.memory_space<vmem>>) target_semaphore(%arg15 : memref<!tpu.dma_semaphore, #tpu.memory_space<semaphore_mem>>)
    %scan3A = arith.constant 0 : i32
    %scan3A_42 = arith.constant 0 : i32
    %scan3A_43 = arith.constant 64 : i32
    %scan3A_44 = arith.addi %scan3A_42, %scan3A_43 : i32
    %scan3A_45 = arith.constant 1 : i32
    scf.for %scan3A_86 = %scan3A_42 to %scan3A_44 step %scan3A_45  : i32 {
      %mul3A_87 = arith.constant 2 : i32
      %mul3A_88 = arith.muli %mul3A_87, %scan3A_86 : i32
      %add3A_89 = arith.addi %mul3A_2, %mul3A_88 : i32
      %add3A_90 = arith.constant 0 : i32
      %add3A_91 = arith.addi %add3A_89, %add3A_90 : i32
      %dma_wait3A_92 = arith.constant 0 : i32
      %dma_wait3A_93 = tpu.memref_slice %arg2[%add3A_91, %dma_wait3A_92] : memref<4096x16384xf32, #tpu.memory_space<hbm>> -> memref<1x8192xf32, #tpu.memory_space<hbm>>
      %dma_wait3A_94 = tpu.memref_squeeze %dma_wait3A_93 : memref<1x8192xf32, #tpu.memory_space<hbm>> -> memref<8192xf32, #tpu.memory_space<hbm>>
      %dma_wait3A_95 = arith.constant 0 : i32
      %dma_wait3A_96 = tpu.memref_slice %arg2[%add3A_91, %dma_wait3A_95] : memref<4096x16384xf32, #tpu.memory_space<hbm>> -> memref<1x8192xf32, #tpu.memory_space<hbm>>
      %dma_wait3A_97 = tpu.memref_squeeze %dma_wait3A_96 : memref<1x8192xf32, #tpu.memory_space<hbm>> -> memref<8192xf32, #tpu.memory_space<hbm>>
      tpu.wait_dma2 semaphore(%arg12 : memref<!tpu.dma_semaphore, #tpu.memory_space<semaphore_mem>>) src(%dma_wait3A_97 : memref<8192xf32, #tpu.memory_space<hbm>>) dst(%arg4 : memref<8192xf32, #tpu.memory_space<vmem>>)
      %gt3A = arith.constant 0 : i32
      %gt3A_98 = arith.cmpi sgt, %scan3A_86, %gt3A : i32
      %convert_element_type3A = arith.extui %gt3A_98 : i1 to i32
      %cond3A = arith.constant 0 : i32
      %cond3A_99 = arith.cmpi ne, %convert_element_type3A, %cond3A : i32
      scf.if %cond3A_99 {
        %sub3A = arith.constant 1 : i32
        %sub3A_289 = arith.subi %scan3A_86, %sub3A : i32
        %mul3A_290 = arith.constant 2 : i32
        %mul3A_291 = arith.muli %mul3A_290, %sub3A_289 : i32
        %add3A_292 = arith.addi %mul3A_2, %mul3A_291 : i32
        %add3A_293 = arith.constant 0 : i32
        %add3A_294 = arith.addi %add3A_292, %add3A_293 : i32
        %dma_wait3A_295 = arith.constant 0 : i32
        %dma_wait3A_296 = tpu.memref_slice %arg3[%add3A_294, %dma_wait3A_295] : memref<4096x16384xf32, #tpu.memory_space<hbm>> -> memref<1x8192xf32, #tpu.memory_space<hbm>>
        %dma_wait3A_297 = tpu.memref_squeeze %dma_wait3A_296 : memref<1x8192xf32, #tpu.memory_space<hbm>> -> memref<8192xf32, #tpu.memory_space<hbm>>
        %dma_wait3A_298 = arith.constant 0 : i32
        %dma_wait3A_299 = tpu.memref_slice %arg3[%add3A_294, %dma_wait3A_298] : memref<4096x16384xf32, #tpu.memory_space<hbm>> -> memref<1x8192xf32, #tpu.memory_space<hbm>>
        %dma_wait3A_300 = tpu.memref_squeeze %dma_wait3A_299 : memref<1x8192xf32, #tpu.memory_space<hbm>> -> memref<8192xf32, #tpu.memory_space<hbm>>
        tpu.wait_dma2 semaphore(%arg16 : memref<!tpu.dma_semaphore, #tpu.memory_space<semaphore_mem>>) src(%arg8 : memref<8192xf32, #tpu.memory_space<vmem>>) dst(%dma_wait3A_300 : memref<8192xf32, #tpu.memory_space<hbm>>)
      } else {
      }
      %iota3A = tpu.iota {dimensions = array<i32: 0>} : vector<16xi32>
      %mul3A_100 = arith.constant 4 : i32
      %mul3A_101 = vector.broadcast %mul3A_100 : i32 to vector<16xi32>
      %mul3A_102 = arith.muli %iota3A, %mul3A_101 : vector<16xi32>
      %add3A_103 = arith.constant 1 : i32
      %add3A_104 = vector.broadcast %add3A_103 : i32 to vector<16xi32>
      %add3A_105 = arith.addi %mul3A_102, %add3A_104 : vector<16xi32>
      %add3A_106 = arith.constant 2 : i32
      %add3A_107 = vector.broadcast %add3A_106 : i32 to vector<16xi32>
      %add3A_108 = arith.addi %mul3A_102, %add3A_107 : vector<16xi32>
      %add3A_109 = arith.constant 3 : i32
      %add3A_110 = vector.broadcast %add3A_109 : i32 to vector<16xi32>
      %add3A_111 = arith.addi %mul3A_102, %add3A_110 : vector<16xi32>
      %parallel_loop3A = arith.constant 0 : i32
      %parallel_loop3A_112 = arith.constant 128 : i32
      %parallel_loop3A_113 = arith.constant 1 : i32
      %parallel_loop3A_114 = arith.constant 1.000000e+00 : f32
      %parallel_loop3A_115 = arith.constant 0.000000e+00 : f32
      scf.for %parallel_loop3A_289 = %parallel_loop3A to %parallel_loop3A_112 step %parallel_loop3A_113  : i32 {
        %parallel_loop3A_290 = arith.constant 64 : i32
        %parallel_loop3A_291 = arith.muli %parallel_loop3A_289, %parallel_loop3A_290 : i32
        %parallel_loop3A_292 = tpu.memref_slice %arg4[%parallel_loop3A_291] : memref<8192xf32, #tpu.memory_space<vmem>> -> memref<64xf32, #tpu.memory_space<vmem>>
        %parallel_loop3A_293 = tpu.vector_load_idx %parallel_loop3A_292[%mul3A_102] : memref<64xf32, #tpu.memory_space<vmem>>[vector<16xi32>], vector<16xf32>,
        %parallel_loop3A_294 = tpu.memref_slice %arg4[%parallel_loop3A_291] : memref<8192xf32, #tpu.memory_space<vmem>> -> memref<64xf32, #tpu.memory_space<vmem>>
        %parallel_loop3A_295 = tpu.vector_load_idx %parallel_loop3A_294[%add3A_105] : memref<64xf32, #tpu.memory_space<vmem>>[vector<16xi32>], vector<16xf32>,
        %parallel_loop3A_296 = tpu.memref_slice %arg4[%parallel_loop3A_291] : memref<8192xf32, #tpu.memory_space<vmem>> -> memref<64xf32, #tpu.memory_space<vmem>>
        %parallel_loop3A_297 = tpu.vector_load_idx %parallel_loop3A_296[%add3A_108] : memref<64xf32, #tpu.memory_space<vmem>>[vector<16xi32>], vector<16xf32>,
        %parallel_loop3A_298 = tpu.memref_slice %arg4[%parallel_loop3A_291] : memref<8192xf32, #tpu.memory_space<vmem>> -> memref<64xf32, #tpu.memory_space<vmem>>
        %parallel_loop3A_299 = tpu.vector_load_idx %parallel_loop3A_298[%add3A_111] : memref<64xf32, #tpu.memory_space<vmem>>[vector<16xi32>], vector<16xf32>,
        %parallel_loop3A_300 = arith.cmpf oge, %parallel_loop3A_293, %parallel_loop3A_295 : vector<16xf32>
        %parallel_loop3A_301 = arith.cmpf oge, %parallel_loop3A_297, %parallel_loop3A_299 : vector<16xf32>
        %parallel_loop3A_302 = arith.select %parallel_loop3A_300, %parallel_loop3A_293, %parallel_loop3A_295 : vector<16xi1>, vector<16xf32>
        %parallel_loop3A_303 = arith.select %parallel_loop3A_300, %parallel_loop3A_295, %parallel_loop3A_293 : vector<16xi1>, vector<16xf32>
        %parallel_loop3A_304 = arith.select %parallel_loop3A_301, %parallel_loop3A_297, %parallel_loop3A_299 : vector<16xi1>, vector<16xf32>
        %parallel_loop3A_305 = arith.select %parallel_loop3A_301, %parallel_loop3A_299, %parallel_loop3A_297 : vector<16xi1>, vector<16xf32>
        %parallel_loop3A_306 = arith.cmpf oge, %parallel_loop3A_302, %parallel_loop3A_304 : vector<16xf32>
        %parallel_loop3A_307 = arith.cmpf oge, %parallel_loop3A_303, %parallel_loop3A_304 : vector<16xf32>
        %parallel_loop3A_308 = arith.cmpf oge, %parallel_loop3A_302, %parallel_loop3A_305 : vector<16xf32>
        %parallel_loop3A_309 = arith.ori %parallel_loop3A_306, %parallel_loop3A_308 : vector<16xi1>
        %parallel_loop3A_310 = arith.andi %parallel_loop3A_306, %parallel_loop3A_307 : vector<16xi1>
        %parallel_loop3A_311 = vector.broadcast %parallel_loop3A_114 : f32 to vector<16xf32>
        %parallel_loop3A_312 = vector.broadcast %parallel_loop3A_115 : f32 to vector<16xf32>
        %parallel_loop3A_313 = arith.select %parallel_loop3A_309, %parallel_loop3A_311, %parallel_loop3A_312 : vector<16xi1>, vector<16xf32>
        %parallel_loop3A_314 = vector.broadcast %parallel_loop3A_114 : f32 to vector<16xf32>
        %parallel_loop3A_315 = vector.broadcast %parallel_loop3A_115 : f32 to vector<16xf32>
        %parallel_loop3A_316 = arith.select %parallel_loop3A_310, %parallel_loop3A_314, %parallel_loop3A_315 : vector<16xi1>, vector<16xf32>
        %parallel_loop3A_317 = vector.broadcast %parallel_loop3A_115 : f32 to vector<16xf32>
        %parallel_loop3A_318 = vector.broadcast %parallel_loop3A_114 : f32 to vector<16xf32>
        %parallel_loop3A_319 = arith.select %parallel_loop3A_310, %parallel_loop3A_317, %parallel_loop3A_318 : vector<16xi1>, vector<16xf32>
        %parallel_loop3A_320 = vector.broadcast %parallel_loop3A_115 : f32 to vector<16xf32>
        %parallel_loop3A_321 = vector.broadcast %parallel_loop3A_114 : f32 to vector<16xf32>
        %parallel_loop3A_322 = arith.select %parallel_loop3A_309, %parallel_loop3A_320, %parallel_loop3A_321 : vector<16xi1>, vector<16xf32>
        %parallel_loop3A_323 = arith.select %parallel_loop3A_300, %parallel_loop3A_313, %parallel_loop3A_316 : vector<16xi1>, vector<16xf32>
        %parallel_loop3A_324 = tpu.memref_slice %arg8[%parallel_loop3A_291] : memref<8192xf32, #tpu.memory_space<vmem>> -> memref<64xf32, #tpu.memory_space<vmem>>
        tpu.vector_store_idx %parallel_loop3A_324[%mul3A_102], %parallel_loop3A_323 : memref<64xf32, #tpu.memory_space<vmem>>[vector<16xi32>], vector<16xf32>,
        %parallel_loop3A_325 = arith.select %parallel_loop3A_300, %parallel_loop3A_316, %parallel_loop3A_313 : vector<16xi1>, vector<16xf32>
        %parallel_loop3A_326 = tpu.memref_slice %arg8[%parallel_loop3A_291] : memref<8192xf32, #tpu.memory_space<vmem>> -> memref<64xf32, #tpu.memory_space<vmem>>
        tpu.vector_store_idx %parallel_loop3A_326[%add3A_105], %parallel_loop3A_325 : memref<64xf32, #tpu.memory_space<vmem>>[vector<16xi32>], vector<16xf32>,
        %parallel_loop3A_327 = arith.select %parallel_loop3A_301, %parallel_loop3A_319, %parallel_loop3A_322 : vector<16xi1>, vector<16xf32>
        %parallel_loop3A_328 = tpu.memref_slice %arg8[%parallel_loop3A_291] : memref<8192xf32, #tpu.memory_space<vmem>> -> memref<64xf32, #tpu.memory_space<vmem>>
        tpu.vector_store_idx %parallel_loop3A_328[%add3A_108], %parallel_loop3A_327 : memref<64xf32, #tpu.memory_space<vmem>>[vector<16xi32>], vector<16xf32>,
        %parallel_loop3A_329 = arith.select %parallel_loop3A_301, %parallel_loop3A_322, %parallel_loop3A_319 : vector<16xi1>, vector<16xf32>
        %parallel_loop3A_330 = tpu.memref_slice %arg8[%parallel_loop3A_291] : memref<8192xf32, #tpu.memory_space<vmem>> -> memref<64xf32, #tpu.memory_space<vmem>>
        tpu.vector_store_idx %parallel_loop3A_330[%add3A_111], %parallel_loop3A_329 : memref<64xf32, #tpu.memory_space<vmem>>[vector<16xi32>], vector<16xf32>,
      } {sc.loop_unroll_factor = 8 : i64, sc.parallel_access}
      %mul3A_116 = arith.constant 2 : i32
      %mul3A_117 = arith.muli %mul3A_116, %scan3A_86 : i32
      %add3A_118 = arith.addi %mul3A_2, %mul3A_117 : i32
      %add3A_119 = arith.constant 0 : i32
      %add3A_120 = arith.addi %add3A_118, %add3A_119 : i32
      %dma_start3A_121 = arith.constant 0 : i32
      %dma_start3A_122 = tpu.memref_slice %arg3[%add3A_120, %dma_start3A_121] : memref<4096x16384xf32, #tpu.memory_space<hbm>> -> memref<1x8192xf32, #tpu.memory_space<hbm>>
      %dma_start3A_123 = tpu.memref_squeeze %dma_start3A_122 : memref<1x8192xf32, #tpu.memory_space<hbm>> -> memref<8192xf32, #tpu.memory_space<hbm>>
      %dma_start3A_124 = arith.constant 0 : i32
      %dma_start3A_125 = tpu.memref_slice %arg3[%add3A_120, %dma_start3A_124] : memref<4096x16384xf32, #tpu.memory_space<hbm>> -> memref<1x8192xf32, #tpu.memory_space<hbm>>
      %dma_start3A_126 = tpu.memref_squeeze %dma_start3A_125 : memref<1x8192xf32, #tpu.memory_space<hbm>> -> memref<8192xf32, #tpu.memory_space<hbm>>
      tpu.enqueue_dma source(%arg8 : memref<8192xf32, #tpu.memory_space<vmem>>) target(%dma_start3A_126 : memref<8192xf32, #tpu.memory_space<hbm>>) target_semaphore(%arg16 : memref<!tpu.dma_semaphore, #tpu.memory_space<semaphore_mem>>)
      %add3A_127 = arith.constant 1 : i32
      %add3A_128 = arith.addi %scan3A_86, %add3A_127 : i32
      %lt3A = arith.constant 64 : i32
      %lt3A_129 = arith.cmpi slt, %add3A_128, %lt3A : i32
      %convert_element_type3A_130 = arith.extui %lt3A_129 : i1 to i32
      %cond3A_131 = arith.constant 0 : i32
      %cond3A_132 = arith.cmpi ne, %convert_element_type3A_130, %cond3A_131 : i32
      scf.if %cond3A_132 {
        %add3A_289 = arith.constant 1 : i32
        %add3A_290 = arith.addi %scan3A_86, %add3A_289 : i32
        %mul3A_291 = arith.constant 2 : i32
        %mul3A_292 = arith.muli %mul3A_291, %add3A_290 : i32
        %add3A_293 = arith.addi %mul3A_2, %mul3A_292 : i32
        %add3A_294 = arith.constant 0 : i32
        %add3A_295 = arith.addi %add3A_293, %add3A_294 : i32
        %dma_start3A_296 = arith.constant 0 : i32
        %dma_start3A_297 = tpu.memref_slice %arg2[%add3A_295, %dma_start3A_296] : memref<4096x16384xf32, #tpu.memory_space<hbm>> -> memref<1x8192xf32, #tpu.memory_space<hbm>>
        %dma_start3A_298 = tpu.memref_squeeze %dma_start3A_297 : memref<1x8192xf32, #tpu.memory_space<hbm>> -> memref<8192xf32, #tpu.memory_space<hbm>>
        %dma_start3A_299 = arith.constant 0 : i32
        %dma_start3A_300 = tpu.memref_slice %arg2[%add3A_295, %dma_start3A_299] : memref<4096x16384xf32, #tpu.memory_space<hbm>> -> memref<1x8192xf32, #tpu.memory_space<hbm>>
        %dma_start3A_301 = tpu.memref_squeeze %dma_start3A_300 : memref<1x8192xf32, #tpu.memory_space<hbm>> -> memref<8192xf32, #tpu.memory_space<hbm>>
        tpu.enqueue_dma source(%dma_start3A_301 : memref<8192xf32, #tpu.memory_space<hbm>>) target(%arg4 : memref<8192xf32, #tpu.memory_space<vmem>>) target_semaphore(%arg12 : memref<!tpu.dma_semaphore, #tpu.memory_space<semaphore_mem>>)
      } else {
      }
      %mul3A_133 = arith.constant 2 : i32
      %mul3A_134 = arith.muli %mul3A_133, %scan3A_86 : i32
      %add3A_135 = arith.addi %mul3A_2, %mul3A_134 : i32
      %add3A_136 = arith.constant 0 : i32
      %add3A_137 = arith.addi %add3A_135, %add3A_136 : i32
      %dma_wait3A_138 = arith.constant 8192 : i32
      %dma_wait3A_139 = tpu.memref_slice %arg2[%add3A_137, %dma_wait3A_138] : memref<4096x16384xf32, #tpu.memory_space<hbm>> -> memref<1x8192xf32, #tpu.memory_space<hbm>>
      %dma_wait3A_140 = tpu.memref_squeeze %dma_wait3A_139 : memref<1x8192xf32, #tpu.memory_space<hbm>> -> memref<8192xf32, #tpu.memory_space<hbm>>
      %dma_wait3A_141 = arith.constant 8192 : i32
      %dma_wait3A_142 = tpu.memref_slice %arg2[%add3A_137, %dma_wait3A_141] : memref<4096x16384xf32, #tpu.memory_space<hbm>> -> memref<1x8192xf32, #tpu.memory_space<hbm>>
      %dma_wait3A_143 = tpu.memref_squeeze %dma_wait3A_142 : memref<1x8192xf32, #tpu.memory_space<hbm>> -> memref<8192xf32, #tpu.memory_space<hbm>>
      tpu.wait_dma2 semaphore(%arg13 : memref<!tpu.dma_semaphore, #tpu.memory_space<semaphore_mem>>) src(%dma_wait3A_143 : memref<8192xf32, #tpu.memory_space<hbm>>) dst(%arg5 : memref<8192xf32, #tpu.memory_space<vmem>>)
      %gt3A_144 = arith.constant 0 : i32
      %gt3A_145 = arith.cmpi sgt, %scan3A_86, %gt3A_144 : i32
      %convert_element_type3A_146 = arith.extui %gt3A_145 : i1 to i32
      %cond3A_147 = arith.constant 0 : i32
      %cond3A_148 = arith.cmpi ne, %convert_element_type3A_146, %cond3A_147 : i32
      scf.if %cond3A_148 {
        %sub3A = arith.constant 1 : i32
        %sub3A_289 = arith.subi %scan3A_86, %sub3A : i32
        %mul3A_290 = arith.constant 2 : i32
        %mul3A_291 = arith.muli %mul3A_290, %sub3A_289 : i32
        %add3A_292 = arith.addi %mul3A_2, %mul3A_291 : i32
        %add3A_293 = arith.constant 0 : i32
        %add3A_294 = arith.addi %add3A_292, %add3A_293 : i32
        %dma_wait3A_295 = arith.constant 8192 : i32
        %dma_wait3A_296 = tpu.memref_slice %arg3[%add3A_294, %dma_wait3A_295] : memref<4096x16384xf32, #tpu.memory_space<hbm>> -> memref<1x8192xf32, #tpu.memory_space<hbm>>
        %dma_wait3A_297 = tpu.memref_squeeze %dma_wait3A_296 : memref<1x8192xf32, #tpu.memory_space<hbm>> -> memref<8192xf32, #tpu.memory_space<hbm>>
        %dma_wait3A_298 = arith.constant 8192 : i32
        %dma_wait3A_299 = tpu.memref_slice %arg3[%add3A_294, %dma_wait3A_298] : memref<4096x16384xf32, #tpu.memory_space<hbm>> -> memref<1x8192xf32, #tpu.memory_space<hbm>>
        %dma_wait3A_300 = tpu.memref_squeeze %dma_wait3A_299 : memref<1x8192xf32, #tpu.memory_space<hbm>> -> memref<8192xf32, #tpu.memory_space<hbm>>
        tpu.wait_dma2 semaphore(%arg17 : memref<!tpu.dma_semaphore, #tpu.memory_space<semaphore_mem>>) src(%arg9 : memref<8192xf32, #tpu.memory_space<vmem>>) dst(%dma_wait3A_300 : memref<8192xf32, #tpu.memory_space<hbm>>)
      } else {
      }
      %iota3A_149 = tpu.iota {dimensions = array<i32: 0>} : vector<16xi32>
      %mul3A_150 = arith.constant 4 : i32
      %mul3A_151 = vector.broadcast %mul3A_150 : i32 to vector<16xi32>
      %mul3A_152 = arith.muli %iota3A_149, %mul3A_151 : vector<16xi32>
      %add3A_153 = arith.constant 1 : i32
      %add3A_154 = vector.broadcast %add3A_153 : i32 to vector<16xi32>
      %add3A_155 = arith.addi %mul3A_152, %add3A_154 : vector<16xi32>
      %add3A_156 = arith.constant 2 : i32
      %add3A_157 = vector.broadcast %add3A_156 : i32 to vector<16xi32>
      %add3A_158 = arith.addi %mul3A_152, %add3A_157 : vector<16xi32>
      %add3A_159 = arith.constant 3 : i32
      %add3A_160 = vector.broadcast %add3A_159 : i32 to vector<16xi32>
      %add3A_161 = arith.addi %mul3A_152, %add3A_160 : vector<16xi32>
      %parallel_loop3A_162 = arith.constant 0 : i32
      %parallel_loop3A_163 = arith.constant 128 : i32
      %parallel_loop3A_164 = arith.constant 1 : i32
      %parallel_loop3A_165 = arith.constant 1.000000e+00 : f32
      %parallel_loop3A_166 = arith.constant 0.000000e+00 : f32
      scf.for %parallel_loop3A_289 = %parallel_loop3A_162 to %parallel_loop3A_163 step %parallel_loop3A_164  : i32 {
        %parallel_loop3A_290 = arith.constant 64 : i32
        %parallel_loop3A_291 = arith.muli %parallel_loop3A_289, %parallel_loop3A_290 : i32
        %parallel_loop3A_292 = tpu.memref_slice %arg5[%parallel_loop3A_291] : memref<8192xf32, #tpu.memory_space<vmem>> -> memref<64xf32, #tpu.memory_space<vmem>>
        %parallel_loop3A_293 = tpu.vector_load_idx %parallel_loop3A_292[%mul3A_152] : memref<64xf32, #tpu.memory_space<vmem>>[vector<16xi32>], vector<16xf32>,
        %parallel_loop3A_294 = tpu.memref_slice %arg5[%parallel_loop3A_291] : memref<8192xf32, #tpu.memory_space<vmem>> -> memref<64xf32, #tpu.memory_space<vmem>>
        %parallel_loop3A_295 = tpu.vector_load_idx %parallel_loop3A_294[%add3A_155] : memref<64xf32, #tpu.memory_space<vmem>>[vector<16xi32>], vector<16xf32>,
        %parallel_loop3A_296 = tpu.memref_slice %arg5[%parallel_loop3A_291] : memref<8192xf32, #tpu.memory_space<vmem>> -> memref<64xf32, #tpu.memory_space<vmem>>
        %parallel_loop3A_297 = tpu.vector_load_idx %parallel_loop3A_296[%add3A_158] : memref<64xf32, #tpu.memory_space<vmem>>[vector<16xi32>], vector<16xf32>,
        %parallel_loop3A_298 = tpu.memref_slice %arg5[%parallel_loop3A_291] : memref<8192xf32, #tpu.memory_space<vmem>> -> memref<64xf32, #tpu.memory_space<vmem>>
        %parallel_loop3A_299 = tpu.vector_load_idx %parallel_loop3A_298[%add3A_161] : memref<64xf32, #tpu.memory_space<vmem>>[vector<16xi32>], vector<16xf32>,
        %parallel_loop3A_300 = arith.cmpf oge, %parallel_loop3A_293, %parallel_loop3A_295 : vector<16xf32>
        %parallel_loop3A_301 = arith.cmpf oge, %parallel_loop3A_297, %parallel_loop3A_299 : vector<16xf32>
        %parallel_loop3A_302 = arith.select %parallel_loop3A_300, %parallel_loop3A_293, %parallel_loop3A_295 : vector<16xi1>, vector<16xf32>
        %parallel_loop3A_303 = arith.select %parallel_loop3A_300, %parallel_loop3A_295, %parallel_loop3A_293 : vector<16xi1>, vector<16xf32>
        %parallel_loop3A_304 = arith.select %parallel_loop3A_301, %parallel_loop3A_297, %parallel_loop3A_299 : vector<16xi1>, vector<16xf32>
        %parallel_loop3A_305 = arith.select %parallel_loop3A_301, %parallel_loop3A_299, %parallel_loop3A_297 : vector<16xi1>, vector<16xf32>
        %parallel_loop3A_306 = arith.cmpf oge, %parallel_loop3A_302, %parallel_loop3A_304 : vector<16xf32>
        %parallel_loop3A_307 = arith.cmpf oge, %parallel_loop3A_303, %parallel_loop3A_304 : vector<16xf32>
        %parallel_loop3A_308 = arith.cmpf oge, %parallel_loop3A_302, %parallel_loop3A_305 : vector<16xf32>
        %parallel_loop3A_309 = arith.ori %parallel_loop3A_306, %parallel_loop3A_308 : vector<16xi1>
        %parallel_loop3A_310 = arith.andi %parallel_loop3A_306, %parallel_loop3A_307 : vector<16xi1>
        %parallel_loop3A_311 = vector.broadcast %parallel_loop3A_165 : f32 to vector<16xf32>
        %parallel_loop3A_312 = vector.broadcast %parallel_loop3A_166 : f32 to vector<16xf32>
        %parallel_loop3A_313 = arith.select %parallel_loop3A_309, %parallel_loop3A_311, %parallel_loop3A_312 : vector<16xi1>, vector<16xf32>
        %parallel_loop3A_314 = vector.broadcast %parallel_loop3A_165 : f32 to vector<16xf32>
        %parallel_loop3A_315 = vector.broadcast %parallel_loop3A_166 : f32 to vector<16xf32>
        %parallel_loop3A_316 = arith.select %parallel_loop3A_310, %parallel_loop3A_314, %parallel_loop3A_315 : vector<16xi1>, vector<16xf32>
        %parallel_loop3A_317 = vector.broadcast %parallel_loop3A_166 : f32 to vector<16xf32>
        %parallel_loop3A_318 = vector.broadcast %parallel_loop3A_165 : f32 to vector<16xf32>
        %parallel_loop3A_319 = arith.select %parallel_loop3A_310, %parallel_loop3A_317, %parallel_loop3A_318 : vector<16xi1>, vector<16xf32>
        %parallel_loop3A_320 = vector.broadcast %parallel_loop3A_166 : f32 to vector<16xf32>
        %parallel_loop3A_321 = vector.broadcast %parallel_loop3A_165 : f32 to vector<16xf32>
        %parallel_loop3A_322 = arith.select %parallel_loop3A_309, %parallel_loop3A_320, %parallel_loop3A_321 : vector<16xi1>, vector<16xf32>
        %parallel_loop3A_323 = arith.select %parallel_loop3A_300, %parallel_loop3A_313, %parallel_loop3A_316 : vector<16xi1>, vector<16xf32>
        %parallel_loop3A_324 = tpu.memref_slice %arg9[%parallel_loop3A_291] : memref<8192xf32, #tpu.memory_space<vmem>> -> memref<64xf32, #tpu.memory_space<vmem>>
        tpu.vector_store_idx %parallel_loop3A_324[%mul3A_152], %parallel_loop3A_323 : memref<64xf32, #tpu.memory_space<vmem>>[vector<16xi32>], vector<16xf32>,
        %parallel_loop3A_325 = arith.select %parallel_loop3A_300, %parallel_loop3A_316, %parallel_loop3A_313 : vector<16xi1>, vector<16xf32>
        %parallel_loop3A_326 = tpu.memref_slice %arg9[%parallel_loop3A_291] : memref<8192xf32, #tpu.memory_space<vmem>> -> memref<64xf32, #tpu.memory_space<vmem>>
        tpu.vector_store_idx %parallel_loop3A_326[%add3A_155], %parallel_loop3A_325 : memref<64xf32, #tpu.memory_space<vmem>>[vector<16xi32>], vector<16xf32>,
        %parallel_loop3A_327 = arith.select %parallel_loop3A_301, %parallel_loop3A_319, %parallel_loop3A_322 : vector<16xi1>, vector<16xf32>
        %parallel_loop3A_328 = tpu.memref_slice %arg9[%parallel_loop3A_291] : memref<8192xf32, #tpu.memory_space<vmem>> -> memref<64xf32, #tpu.memory_space<vmem>>
        tpu.vector_store_idx %parallel_loop3A_328[%add3A_158], %parallel_loop3A_327 : memref<64xf32, #tpu.memory_space<vmem>>[vector<16xi32>], vector<16xf32>,
        %parallel_loop3A_329 = arith.select %parallel_loop3A_301, %parallel_loop3A_322, %parallel_loop3A_319 : vector<16xi1>, vector<16xf32>
        %parallel_loop3A_330 = tpu.memref_slice %arg9[%parallel_loop3A_291] : memref<8192xf32, #tpu.memory_space<vmem>> -> memref<64xf32, #tpu.memory_space<vmem>>
        tpu.vector_store_idx %parallel_loop3A_330[%add3A_161], %parallel_loop3A_329 : memref<64xf32, #tpu.memory_space<vmem>>[vector<16xi32>], vector<16xf32>,
      } {sc.loop_unroll_factor = 8 : i64, sc.parallel_access}
      %mul3A_167 = arith.constant 2 : i32
      %mul3A_168 = arith.muli %mul3A_167, %scan3A_86 : i32
      %add3A_169 = arith.addi %mul3A_2, %mul3A_168 : i32
      %add3A_170 = arith.constant 0 : i32
      %add3A_171 = arith.addi %add3A_169, %add3A_170 : i32
      %dma_start3A_172 = arith.constant 8192 : i32
      %dma_start3A_173 = tpu.memref_slice %arg3[%add3A_171, %dma_start3A_172] : memref<4096x16384xf32, #tpu.memory_space<hbm>> -> memref<1x8192xf32, #tpu.memory_space<hbm>>
      %dma_start3A_174 = tpu.memref_squeeze %dma_start3A_173 : memref<1x8192xf32, #tpu.memory_space<hbm>> -> memref<8192xf32, #tpu.memory_space<hbm>>
      %dma_start3A_175 = arith.constant 8192 : i32
      %dma_start3A_176 = tpu.memref_slice %arg3[%add3A_171, %dma_start3A_175] : memref<4096x16384xf32, #tpu.memory_space<hbm>> -> memref<1x8192xf32, #tpu.memory_space<hbm>>
      %dma_start3A_177 = tpu.memref_squeeze %dma_start3A_176 : memref<1x8192xf32, #tpu.memory_space<hbm>> -> memref<8192xf32, #tpu.memory_space<hbm>>
      tpu.enqueue_dma source(%arg9 : memref<8192xf32, #tpu.memory_space<vmem>>) target(%dma_start3A_177 : memref<8192xf32, #tpu.memory_space<hbm>>) target_semaphore(%arg17 : memref<!tpu.dma_semaphore, #tpu.memory_space<semaphore_mem>>)
      %add3A_178 = arith.constant 1 : i32
      %add3A_179 = arith.addi %scan3A_86, %add3A_178 : i32
      %lt3A_180 = arith.constant 64 : i32
      %lt3A_181 = arith.cmpi slt, %add3A_179, %lt3A_180 : i32
      %convert_element_type3A_182 = arith.extui %lt3A_181 : i1 to i32
      %cond3A_183 = arith.constant 0 : i32
      %cond3A_184 = arith.cmpi ne, %convert_element_type3A_182, %cond3A_183 : i32
      scf.if %cond3A_184 {
        %add3A_289 = arith.constant 1 : i32
        %add3A_290 = arith.addi %scan3A_86, %add3A_289 : i32
        %mul3A_291 = arith.constant 2 : i32
        %mul3A_292 = arith.muli %mul3A_291, %add3A_290 : i32
        %add3A_293 = arith.addi %mul3A_2, %mul3A_292 : i32
        %add3A_294 = arith.constant 0 : i32
        %add3A_295 = arith.addi %add3A_293, %add3A_294 : i32
        %dma_start3A_296 = arith.constant 8192 : i32
        %dma_start3A_297 = tpu.memref_slice %arg2[%add3A_295, %dma_start3A_296] : memref<4096x16384xf32, #tpu.memory_space<hbm>> -> memref<1x8192xf32, #tpu.memory_space<hbm>>
        %dma_start3A_298 = tpu.memref_squeeze %dma_start3A_297 : memref<1x8192xf32, #tpu.memory_space<hbm>> -> memref<8192xf32, #tpu.memory_space<hbm>>
        %dma_start3A_299 = arith.constant 8192 : i32
        %dma_start3A_300 = tpu.memref_slice %arg2[%add3A_295, %dma_start3A_299] : memref<4096x16384xf32, #tpu.memory_space<hbm>> -> memref<1x8192xf32, #tpu.memory_space<hbm>>
        %dma_start3A_301 = tpu.memref_squeeze %dma_start3A_300 : memref<1x8192xf32, #tpu.memory_space<hbm>> -> memref<8192xf32, #tpu.memory_space<hbm>>
        tpu.enqueue_dma source(%dma_start3A_301 : memref<8192xf32, #tpu.memory_space<hbm>>) target(%arg5 : memref<8192xf32, #tpu.memory_space<vmem>>) target_semaphore(%arg13 : memref<!tpu.dma_semaphore, #tpu.memory_space<semaphore_mem>>)
      } else {
      }
      %mul3A_185 = arith.constant 2 : i32
      %mul3A_186 = arith.muli %mul3A_185, %scan3A_86 : i32
      %add3A_187 = arith.addi %mul3A_2, %mul3A_186 : i32
      %add3A_188 = arith.constant 1 : i32
      %add3A_189 = arith.addi %add3A_187, %add3A_188 : i32
      %dma_wait3A_190 = arith.constant 0 : i32
      %dma_wait3A_191 = tpu.memref_slice %arg2[%add3A_189, %dma_wait3A_190] : memref<4096x16384xf32, #tpu.memory_space<hbm>> -> memref<1x8192xf32, #tpu.memory_space<hbm>>
      %dma_wait3A_192 = tpu.memref_squeeze %dma_wait3A_191 : memref<1x8192xf32, #tpu.memory_space<hbm>> -> memref<8192xf32, #tpu.memory_space<hbm>>
      %dma_wait3A_193 = arith.constant 0 : i32
      %dma_wait3A_194 = tpu.memref_slice %arg2[%add3A_189, %dma_wait3A_193] : memref<4096x16384xf32, #tpu.memory_space<hbm>> -> memref<1x8192xf32, #tpu.memory_space<hbm>>
      %dma_wait3A_195 = tpu.memref_squeeze %dma_wait3A_194 : memref<1x8192xf32, #tpu.memory_space<hbm>> -> memref<8192xf32, #tpu.memory_space<hbm>>
      tpu.wait_dma2 semaphore(%arg14 : memref<!tpu.dma_semaphore, #tpu.memory_space<semaphore_mem>>) src(%dma_wait3A_195 : memref<8192xf32, #tpu.memory_space<hbm>>) dst(%arg6 : memref<8192xf32, #tpu.memory_space<vmem>>)
      %gt3A_196 = arith.constant 0 : i32
      %gt3A_197 = arith.cmpi sgt, %scan3A_86, %gt3A_196 : i32
      %convert_element_type3A_198 = arith.extui %gt3A_197 : i1 to i32
      %cond3A_199 = arith.constant 0 : i32
      %cond3A_200 = arith.cmpi ne, %convert_element_type3A_198, %cond3A_199 : i32
      scf.if %cond3A_200 {
        %sub3A = arith.constant 1 : i32
        %sub3A_289 = arith.subi %scan3A_86, %sub3A : i32
        %mul3A_290 = arith.constant 2 : i32
        %mul3A_291 = arith.muli %mul3A_290, %sub3A_289 : i32
        %add3A_292 = arith.addi %mul3A_2, %mul3A_291 : i32
        %add3A_293 = arith.constant 1 : i32
        %add3A_294 = arith.addi %add3A_292, %add3A_293 : i32
        %dma_wait3A_295 = arith.constant 0 : i32
        %dma_wait3A_296 = tpu.memref_slice %arg3[%add3A_294, %dma_wait3A_295] : memref<4096x16384xf32, #tpu.memory_space<hbm>> -> memref<1x8192xf32, #tpu.memory_space<hbm>>
        %dma_wait3A_297 = tpu.memref_squeeze %dma_wait3A_296 : memref<1x8192xf32, #tpu.memory_space<hbm>> -> memref<8192xf32, #tpu.memory_space<hbm>>
        %dma_wait3A_298 = arith.constant 0 : i32
        %dma_wait3A_299 = tpu.memref_slice %arg3[%add3A_294, %dma_wait3A_298] : memref<4096x16384xf32, #tpu.memory_space<hbm>> -> memref<1x8192xf32, #tpu.memory_space<hbm>>
        %dma_wait3A_300 = tpu.memref_squeeze %dma_wait3A_299 : memref<1x8192xf32, #tpu.memory_space<hbm>> -> memref<8192xf32, #tpu.memory_space<hbm>>
        tpu.wait_dma2 semaphore(%arg18 : memref<!tpu.dma_semaphore, #tpu.memory_space<semaphore_mem>>) src(%arg10 : memref<8192xf32, #tpu.memory_space<vmem>>) dst(%dma_wait3A_300 : memref<8192xf32, #tpu.memory_space<hbm>>)
      } else {
      }
      %iota3A_201 = tpu.iota {dimensions = array<i32: 0>} : vector<16xi32>
      %mul3A_202 = arith.constant 4 : i32
      %mul3A_203 = vector.broadcast %mul3A_202 : i32 to vector<16xi32>
      %mul3A_204 = arith.muli %iota3A_201, %mul3A_203 : vector<16xi32>
      %add3A_205 = arith.constant 1 : i32
      %add3A_206 = vector.broadcast %add3A_205 : i32 to vector<16xi32>
      %add3A_207 = arith.addi %mul3A_204, %add3A_206 : vector<16xi32>
      %add3A_208 = arith.constant 2 : i32
      %add3A_209 = vector.broadcast %add3A_208 : i32 to vector<16xi32>
      %add3A_210 = arith.addi %mul3A_204, %add3A_209 : vector<16xi32>
      %add3A_211 = arith.constant 3 : i32
      %add3A_212 = vector.broadcast %add3A_211 : i32 to vector<16xi32>
      %add3A_213 = arith.addi %mul3A_204, %add3A_212 : vector<16xi32>
      %parallel_loop3A_214 = arith.constant 0 : i32
      %parallel_loop3A_215 = arith.constant 128 : i32
      %parallel_loop3A_216 = arith.constant 1 : i32
      %parallel_loop3A_217 = arith.constant 1.000000e+00 : f32
      %parallel_loop3A_218 = arith.constant 0.000000e+00 : f32
      scf.for %parallel_loop3A_289 = %parallel_loop3A_214 to %parallel_loop3A_215 step %parallel_loop3A_216  : i32 {
        %parallel_loop3A_290 = arith.constant 64 : i32
        %parallel_loop3A_291 = arith.muli %parallel_loop3A_289, %parallel_loop3A_290 : i32
        %parallel_loop3A_292 = tpu.memref_slice %arg6[%parallel_loop3A_291] : memref<8192xf32, #tpu.memory_space<vmem>> -> memref<64xf32, #tpu.memory_space<vmem>>
        %parallel_loop3A_293 = tpu.vector_load_idx %parallel_loop3A_292[%mul3A_204] : memref<64xf32, #tpu.memory_space<vmem>>[vector<16xi32>], vector<16xf32>,
        %parallel_loop3A_294 = tpu.memref_slice %arg6[%parallel_loop3A_291] : memref<8192xf32, #tpu.memory_space<vmem>> -> memref<64xf32, #tpu.memory_space<vmem>>
        %parallel_loop3A_295 = tpu.vector_load_idx %parallel_loop3A_294[%add3A_207] : memref<64xf32, #tpu.memory_space<vmem>>[vector<16xi32>], vector<16xf32>,
        %parallel_loop3A_296 = tpu.memref_slice %arg6[%parallel_loop3A_291] : memref<8192xf32, #tpu.memory_space<vmem>> -> memref<64xf32, #tpu.memory_space<vmem>>
        %parallel_loop3A_297 = tpu.vector_load_idx %parallel_loop3A_296[%add3A_210] : memref<64xf32, #tpu.memory_space<vmem>>[vector<16xi32>], vector<16xf32>,
        %parallel_loop3A_298 = tpu.memref_slice %arg6[%parallel_loop3A_291] : memref<8192xf32, #tpu.memory_space<vmem>> -> memref<64xf32, #tpu.memory_space<vmem>>
        %parallel_loop3A_299 = tpu.vector_load_idx %parallel_loop3A_298[%add3A_213] : memref<64xf32, #tpu.memory_space<vmem>>[vector<16xi32>], vector<16xf32>,
        %parallel_loop3A_300 = arith.cmpf oge, %parallel_loop3A_293, %parallel_loop3A_295 : vector<16xf32>
        %parallel_loop3A_301 = arith.cmpf oge, %parallel_loop3A_297, %parallel_loop3A_299 : vector<16xf32>
        %parallel_loop3A_302 = arith.select %parallel_loop3A_300, %parallel_loop3A_293, %parallel_loop3A_295 : vector<16xi1>, vector<16xf32>
        %parallel_loop3A_303 = arith.select %parallel_loop3A_300, %parallel_loop3A_295, %parallel_loop3A_293 : vector<16xi1>, vector<16xf32>
        %parallel_loop3A_304 = arith.select %parallel_loop3A_301, %parallel_loop3A_297, %parallel_loop3A_299 : vector<16xi1>, vector<16xf32>
        %parallel_loop3A_305 = arith.select %parallel_loop3A_301, %parallel_loop3A_299, %parallel_loop3A_297 : vector<16xi1>, vector<16xf32>
        %parallel_loop3A_306 = arith.cmpf oge, %parallel_loop3A_302, %parallel_loop3A_304 : vector<16xf32>
        %parallel_loop3A_307 = arith.cmpf oge, %parallel_loop3A_303, %parallel_loop3A_304 : vector<16xf32>
        %parallel_loop3A_308 = arith.cmpf oge, %parallel_loop3A_302, %parallel_loop3A_305 : vector<16xf32>
        %parallel_loop3A_309 = arith.ori %parallel_loop3A_306, %parallel_loop3A_308 : vector<16xi1>
        %parallel_loop3A_310 = arith.andi %parallel_loop3A_306, %parallel_loop3A_307 : vector<16xi1>
        %parallel_loop3A_311 = vector.broadcast %parallel_loop3A_217 : f32 to vector<16xf32>
        %parallel_loop3A_312 = vector.broadcast %parallel_loop3A_218 : f32 to vector<16xf32>
        %parallel_loop3A_313 = arith.select %parallel_loop3A_309, %parallel_loop3A_311, %parallel_loop3A_312 : vector<16xi1>, vector<16xf32>
        %parallel_loop3A_314 = vector.broadcast %parallel_loop3A_217 : f32 to vector<16xf32>
        %parallel_loop3A_315 = vector.broadcast %parallel_loop3A_218 : f32 to vector<16xf32>
        %parallel_loop3A_316 = arith.select %parallel_loop3A_310, %parallel_loop3A_314, %parallel_loop3A_315 : vector<16xi1>, vector<16xf32>
        %parallel_loop3A_317 = vector.broadcast %parallel_loop3A_218 : f32 to vector<16xf32>
        %parallel_loop3A_318 = vector.broadcast %parallel_loop3A_217 : f32 to vector<16xf32>
        %parallel_loop3A_319 = arith.select %parallel_loop3A_310, %parallel_loop3A_317, %parallel_loop3A_318 : vector<16xi1>, vector<16xf32>
        %parallel_loop3A_320 = vector.broadcast %parallel_loop3A_218 : f32 to vector<16xf32>
        %parallel_loop3A_321 = vector.broadcast %parallel_loop3A_217 : f32 to vector<16xf32>
        %parallel_loop3A_322 = arith.select %parallel_loop3A_309, %parallel_loop3A_320, %parallel_loop3A_321 : vector<16xi1>, vector<16xf32>
        %parallel_loop3A_323 = arith.select %parallel_loop3A_300, %parallel_loop3A_313, %parallel_loop3A_316 : vector<16xi1>, vector<16xf32>
        %parallel_loop3A_324 = tpu.memref_slice %arg10[%parallel_loop3A_291] : memref<8192xf32, #tpu.memory_space<vmem>> -> memref<64xf32, #tpu.memory_space<vmem>>
        tpu.vector_store_idx %parallel_loop3A_324[%mul3A_204], %parallel_loop3A_323 : memref<64xf32, #tpu.memory_space<vmem>>[vector<16xi32>], vector<16xf32>,
        %parallel_loop3A_325 = arith.select %parallel_loop3A_300, %parallel_loop3A_316, %parallel_loop3A_313 : vector<16xi1>, vector<16xf32>
        %parallel_loop3A_326 = tpu.memref_slice %arg10[%parallel_loop3A_291] : memref<8192xf32, #tpu.memory_space<vmem>> -> memref<64xf32, #tpu.memory_space<vmem>>
        tpu.vector_store_idx %parallel_loop3A_326[%add3A_207], %parallel_loop3A_325 : memref<64xf32, #tpu.memory_space<vmem>>[vector<16xi32>], vector<16xf32>,
        %parallel_loop3A_327 = arith.select %parallel_loop3A_301, %parallel_loop3A_319, %parallel_loop3A_322 : vector<16xi1>, vector<16xf32>
        %parallel_loop3A_328 = tpu.memref_slice %arg10[%parallel_loop3A_291] : memref<8192xf32, #tpu.memory_space<vmem>> -> memref<64xf32, #tpu.memory_space<vmem>>
        tpu.vector_store_idx %parallel_loop3A_328[%add3A_210], %parallel_loop3A_327 : memref<64xf32, #tpu.memory_space<vmem>>[vector<16xi32>], vector<16xf32>,
        %parallel_loop3A_329 = arith.select %parallel_loop3A_301, %parallel_loop3A_322, %parallel_loop3A_319 : vector<16xi1>, vector<16xf32>
        %parallel_loop3A_330 = tpu.memref_slice %arg10[%parallel_loop3A_291] : memref<8192xf32, #tpu.memory_space<vmem>> -> memref<64xf32, #tpu.memory_space<vmem>>
        tpu.vector_store_idx %parallel_loop3A_330[%add3A_213], %parallel_loop3A_329 : memref<64xf32, #tpu.memory_space<vmem>>[vector<16xi32>], vector<16xf32>,
      } {sc.loop_unroll_factor = 8 : i64, sc.parallel_access}
      %mul3A_219 = arith.constant 2 : i32
      %mul3A_220 = arith.muli %mul3A_219, %scan3A_86 : i32
      %add3A_221 = arith.addi %mul3A_2, %mul3A_220 : i32
      %add3A_222 = arith.constant 1 : i32
      %add3A_223 = arith.addi %add3A_221, %add3A_222 : i32
      %dma_start3A_224 = arith.constant 0 : i32
      %dma_start3A_225 = tpu.memref_slice %arg3[%add3A_223, %dma_start3A_224] : memref<4096x16384xf32, #tpu.memory_space<hbm>> -> memref<1x8192xf32, #tpu.memory_space<hbm>>
      %dma_start3A_226 = tpu.memref_squeeze %dma_start3A_225 : memref<1x8192xf32, #tpu.memory_space<hbm>> -> memref<8192xf32, #tpu.memory_space<hbm>>
      %dma_start3A_227 = arith.constant 0 : i32
      %dma_start3A_228 = tpu.memref_slice %arg3[%add3A_223, %dma_start3A_227] : memref<4096x16384xf32, #tpu.memory_space<hbm>> -> memref<1x8192xf32, #tpu.memory_space<hbm>>
      %dma_start3A_229 = tpu.memref_squeeze %dma_start3A_228 : memref<1x8192xf32, #tpu.memory_space<hbm>> -> memref<8192xf32, #tpu.memory_space<hbm>>
      tpu.enqueue_dma source(%arg10 : memref<8192xf32, #tpu.memory_space<vmem>>) target(%dma_start3A_229 : memref<8192xf32, #tpu.memory_space<hbm>>) target_semaphore(%arg18 : memref<!tpu.dma_semaphore, #tpu.memory_space<semaphore_mem>>)
      %add3A_230 = arith.constant 1 : i32
      %add3A_231 = arith.addi %scan3A_86, %add3A_230 : i32
      %lt3A_232 = arith.constant 64 : i32
      %lt3A_233 = arith.cmpi slt, %add3A_231, %lt3A_232 : i32
      %convert_element_type3A_234 = arith.extui %lt3A_233 : i1 to i32
      %cond3A_235 = arith.constant 0 : i32
      %cond3A_236 = arith.cmpi ne, %convert_element_type3A_234, %cond3A_235 : i32
      scf.if %cond3A_236 {
        %add3A_289 = arith.constant 1 : i32
        %add3A_290 = arith.addi %scan3A_86, %add3A_289 : i32
        %mul3A_291 = arith.constant 2 : i32
        %mul3A_292 = arith.muli %mul3A_291, %add3A_290 : i32
        %add3A_293 = arith.addi %mul3A_2, %mul3A_292 : i32
        %add3A_294 = arith.constant 1 : i32
        %add3A_295 = arith.addi %add3A_293, %add3A_294 : i32
        %dma_start3A_296 = arith.constant 0 : i32
        %dma_start3A_297 = tpu.memref_slice %arg2[%add3A_295, %dma_start3A_296] : memref<4096x16384xf32, #tpu.memory_space<hbm>> -> memref<1x8192xf32, #tpu.memory_space<hbm>>
        %dma_start3A_298 = tpu.memref_squeeze %dma_start3A_297 : memref<1x8192xf32, #tpu.memory_space<hbm>> -> memref<8192xf32, #tpu.memory_space<hbm>>
        %dma_start3A_299 = arith.constant 0 : i32
        %dma_start3A_300 = tpu.memref_slice %arg2[%add3A_295, %dma_start3A_299] : memref<4096x16384xf32, #tpu.memory_space<hbm>> -> memref<1x8192xf32, #tpu.memory_space<hbm>>
        %dma_start3A_301 = tpu.memref_squeeze %dma_start3A_300 : memref<1x8192xf32, #tpu.memory_space<hbm>> -> memref<8192xf32, #tpu.memory_space<hbm>>
        tpu.enqueue_dma source(%dma_start3A_301 : memref<8192xf32, #tpu.memory_space<hbm>>) target(%arg6 : memref<8192xf32, #tpu.memory_space<vmem>>) target_semaphore(%arg14 : memref<!tpu.dma_semaphore, #tpu.memory_space<semaphore_mem>>)
      } else {
      }
      %mul3A_237 = arith.constant 2 : i32
      %mul3A_238 = arith.muli %mul3A_237, %scan3A_86 : i32
      %add3A_239 = arith.addi %mul3A_2, %mul3A_238 : i32
      %add3A_240 = arith.constant 1 : i32
      %add3A_241 = arith.addi %add3A_239, %add3A_240 : i32
      %dma_wait3A_242 = arith.constant 8192 : i32
      %dma_wait3A_243 = tpu.memref_slice %arg2[%add3A_241, %dma_wait3A_242] : memref<4096x16384xf32, #tpu.memory_space<hbm>> -> memref<1x8192xf32, #tpu.memory_space<hbm>>
      %dma_wait3A_244 = tpu.memref_squeeze %dma_wait3A_243 : memref<1x8192xf32, #tpu.memory_space<hbm>> -> memref<8192xf32, #tpu.memory_space<hbm>>
      %dma_wait3A_245 = arith.constant 8192 : i32
      %dma_wait3A_246 = tpu.memref_slice %arg2[%add3A_241, %dma_wait3A_245] : memref<4096x16384xf32, #tpu.memory_space<hbm>> -> memref<1x8192xf32, #tpu.memory_space<hbm>>
      %dma_wait3A_247 = tpu.memref_squeeze %dma_wait3A_246 : memref<1x8192xf32, #tpu.memory_space<hbm>> -> memref<8192xf32, #tpu.memory_space<hbm>>
      tpu.wait_dma2 semaphore(%arg15 : memref<!tpu.dma_semaphore, #tpu.memory_space<semaphore_mem>>) src(%dma_wait3A_247 : memref<8192xf32, #tpu.memory_space<hbm>>) dst(%arg7 : memref<8192xf32, #tpu.memory_space<vmem>>)
      %gt3A_248 = arith.constant 0 : i32
      %gt3A_249 = arith.cmpi sgt, %scan3A_86, %gt3A_248 : i32
      %convert_element_type3A_250 = arith.extui %gt3A_249 : i1 to i32
      %cond3A_251 = arith.constant 0 : i32
      %cond3A_252 = arith.cmpi ne, %convert_element_type3A_250, %cond3A_251 : i32
      scf.if %cond3A_252 {
        %sub3A = arith.constant 1 : i32
        %sub3A_289 = arith.subi %scan3A_86, %sub3A : i32
        %mul3A_290 = arith.constant 2 : i32
        %mul3A_291 = arith.muli %mul3A_290, %sub3A_289 : i32
        %add3A_292 = arith.addi %mul3A_2, %mul3A_291 : i32
        %add3A_293 = arith.constant 1 : i32
        %add3A_294 = arith.addi %add3A_292, %add3A_293 : i32
        %dma_wait3A_295 = arith.constant 8192 : i32
        %dma_wait3A_296 = tpu.memref_slice %arg3[%add3A_294, %dma_wait3A_295] : memref<4096x16384xf32, #tpu.memory_space<hbm>> -> memref<1x8192xf32, #tpu.memory_space<hbm>>
        %dma_wait3A_297 = tpu.memref_squeeze %dma_wait3A_296 : memref<1x8192xf32, #tpu.memory_space<hbm>> -> memref<8192xf32, #tpu.memory_space<hbm>>
        %dma_wait3A_298 = arith.constant 8192 : i32
        %dma_wait3A_299 = tpu.memref_slice %arg3[%add3A_294, %dma_wait3A_298] : memref<4096x16384xf32, #tpu.memory_space<hbm>> -> memref<1x8192xf32, #tpu.memory_space<hbm>>
        %dma_wait3A_300 = tpu.memref_squeeze %dma_wait3A_299 : memref<1x8192xf32, #tpu.memory_space<hbm>> -> memref<8192xf32, #tpu.memory_space<hbm>>
        tpu.wait_dma2 semaphore(%arg19 : memref<!tpu.dma_semaphore, #tpu.memory_space<semaphore_mem>>) src(%arg11 : memref<8192xf32, #tpu.memory_space<vmem>>) dst(%dma_wait3A_300 : memref<8192xf32, #tpu.memory_space<hbm>>)
      } else {
      }
      %iota3A_253 = tpu.iota {dimensions = array<i32: 0>} : vector<16xi32>
      %mul3A_254 = arith.constant 4 : i32
      %mul3A_255 = vector.broadcast %mul3A_254 : i32 to vector<16xi32>
      %mul3A_256 = arith.muli %iota3A_253, %mul3A_255 : vector<16xi32>
      %add3A_257 = arith.constant 1 : i32
      %add3A_258 = vector.broadcast %add3A_257 : i32 to vector<16xi32>
      %add3A_259 = arith.addi %mul3A_256, %add3A_258 : vector<16xi32>
      %add3A_260 = arith.constant 2 : i32
      %add3A_261 = vector.broadcast %add3A_260 : i32 to vector<16xi32>
      %add3A_262 = arith.addi %mul3A_256, %add3A_261 : vector<16xi32>
      %add3A_263 = arith.constant 3 : i32
      %add3A_264 = vector.broadcast %add3A_263 : i32 to vector<16xi32>
      %add3A_265 = arith.addi %mul3A_256, %add3A_264 : vector<16xi32>
      %parallel_loop3A_266 = arith.constant 0 : i32
      %parallel_loop3A_267 = arith.constant 128 : i32
      %parallel_loop3A_268 = arith.constant 1 : i32
      %parallel_loop3A_269 = arith.constant 1.000000e+00 : f32
      %parallel_loop3A_270 = arith.constant 0.000000e+00 : f32
      scf.for %parallel_loop3A_289 = %parallel_loop3A_266 to %parallel_loop3A_267 step %parallel_loop3A_268  : i32 {
        %parallel_loop3A_290 = arith.constant 64 : i32
        %parallel_loop3A_291 = arith.muli %parallel_loop3A_289, %parallel_loop3A_290 : i32
        %parallel_loop3A_292 = tpu.memref_slice %arg7[%parallel_loop3A_291] : memref<8192xf32, #tpu.memory_space<vmem>> -> memref<64xf32, #tpu.memory_space<vmem>>
        %parallel_loop3A_293 = tpu.vector_load_idx %parallel_loop3A_292[%mul3A_256] : memref<64xf32, #tpu.memory_space<vmem>>[vector<16xi32>], vector<16xf32>,
        %parallel_loop3A_294 = tpu.memref_slice %arg7[%parallel_loop3A_291] : memref<8192xf32, #tpu.memory_space<vmem>> -> memref<64xf32, #tpu.memory_space<vmem>>
        %parallel_loop3A_295 = tpu.vector_load_idx %parallel_loop3A_294[%add3A_259] : memref<64xf32, #tpu.memory_space<vmem>>[vector<16xi32>], vector<16xf32>,
        %parallel_loop3A_296 = tpu.memref_slice %arg7[%parallel_loop3A_291] : memref<8192xf32, #tpu.memory_space<vmem>> -> memref<64xf32, #tpu.memory_space<vmem>>
        %parallel_loop3A_297 = tpu.vector_load_idx %parallel_loop3A_296[%add3A_262] : memref<64xf32, #tpu.memory_space<vmem>>[vector<16xi32>], vector<16xf32>,
        %parallel_loop3A_298 = tpu.memref_slice %arg7[%parallel_loop3A_291] : memref<8192xf32, #tpu.memory_space<vmem>> -> memref<64xf32, #tpu.memory_space<vmem>>
        %parallel_loop3A_299 = tpu.vector_load_idx %parallel_loop3A_298[%add3A_265] : memref<64xf32, #tpu.memory_space<vmem>>[vector<16xi32>], vector<16xf32>,
        %parallel_loop3A_300 = arith.cmpf oge, %parallel_loop3A_293, %parallel_loop3A_295 : vector<16xf32>
        %parallel_loop3A_301 = arith.cmpf oge, %parallel_loop3A_297, %parallel_loop3A_299 : vector<16xf32>
        %parallel_loop3A_302 = arith.select %parallel_loop3A_300, %parallel_loop3A_293, %parallel_loop3A_295 : vector<16xi1>, vector<16xf32>
        %parallel_loop3A_303 = arith.select %parallel_loop3A_300, %parallel_loop3A_295, %parallel_loop3A_293 : vector<16xi1>, vector<16xf32>
        %parallel_loop3A_304 = arith.select %parallel_loop3A_301, %parallel_loop3A_297, %parallel_loop3A_299 : vector<16xi1>, vector<16xf32>
        %parallel_loop3A_305 = arith.select %parallel_loop3A_301, %parallel_loop3A_299, %parallel_loop3A_297 : vector<16xi1>, vector<16xf32>
        %parallel_loop3A_306 = arith.cmpf oge, %parallel_loop3A_302, %parallel_loop3A_304 : vector<16xf32>
        %parallel_loop3A_307 = arith.cmpf oge, %parallel_loop3A_303, %parallel_loop3A_304 : vector<16xf32>
        %parallel_loop3A_308 = arith.cmpf oge, %parallel_loop3A_302, %parallel_loop3A_305 : vector<16xf32>
        %parallel_loop3A_309 = arith.ori %parallel_loop3A_306, %parallel_loop3A_308 : vector<16xi1>
        %parallel_loop3A_310 = arith.andi %parallel_loop3A_306, %parallel_loop3A_307 : vector<16xi1>
        %parallel_loop3A_311 = vector.broadcast %parallel_loop3A_269 : f32 to vector<16xf32>
        %parallel_loop3A_312 = vector.broadcast %parallel_loop3A_270 : f32 to vector<16xf32>
        %parallel_loop3A_313 = arith.select %parallel_loop3A_309, %parallel_loop3A_311, %parallel_loop3A_312 : vector<16xi1>, vector<16xf32>
        %parallel_loop3A_314 = vector.broadcast %parallel_loop3A_269 : f32 to vector<16xf32>
        %parallel_loop3A_315 = vector.broadcast %parallel_loop3A_270 : f32 to vector<16xf32>
        %parallel_loop3A_316 = arith.select %parallel_loop3A_310, %parallel_loop3A_314, %parallel_loop3A_315 : vector<16xi1>, vector<16xf32>
        %parallel_loop3A_317 = vector.broadcast %parallel_loop3A_270 : f32 to vector<16xf32>
        %parallel_loop3A_318 = vector.broadcast %parallel_loop3A_269 : f32 to vector<16xf32>
        %parallel_loop3A_319 = arith.select %parallel_loop3A_310, %parallel_loop3A_317, %parallel_loop3A_318 : vector<16xi1>, vector<16xf32>
        %parallel_loop3A_320 = vector.broadcast %parallel_loop3A_270 : f32 to vector<16xf32>
        %parallel_loop3A_321 = vector.broadcast %parallel_loop3A_269 : f32 to vector<16xf32>
        %parallel_loop3A_322 = arith.select %parallel_loop3A_309, %parallel_loop3A_320, %parallel_loop3A_321 : vector<16xi1>, vector<16xf32>
        %parallel_loop3A_323 = arith.select %parallel_loop3A_300, %parallel_loop3A_313, %parallel_loop3A_316 : vector<16xi1>, vector<16xf32>
        %parallel_loop3A_324 = tpu.memref_slice %arg11[%parallel_loop3A_291] : memref<8192xf32, #tpu.memory_space<vmem>> -> memref<64xf32, #tpu.memory_space<vmem>>
        tpu.vector_store_idx %parallel_loop3A_324[%mul3A_256], %parallel_loop3A_323 : memref<64xf32, #tpu.memory_space<vmem>>[vector<16xi32>], vector<16xf32>,
        %parallel_loop3A_325 = arith.select %parallel_loop3A_300, %parallel_loop3A_316, %parallel_loop3A_313 : vector<16xi1>, vector<16xf32>
        %parallel_loop3A_326 = tpu.memref_slice %arg11[%parallel_loop3A_291] : memref<8192xf32, #tpu.memory_space<vmem>> -> memref<64xf32, #tpu.memory_space<vmem>>
        tpu.vector_store_idx %parallel_loop3A_326[%add3A_259], %parallel_loop3A_325 : memref<64xf32, #tpu.memory_space<vmem>>[vector<16xi32>], vector<16xf32>,
        %parallel_loop3A_327 = arith.select %parallel_loop3A_301, %parallel_loop3A_319, %parallel_loop3A_322 : vector<16xi1>, vector<16xf32>
        %parallel_loop3A_328 = tpu.memref_slice %arg11[%parallel_loop3A_291] : memref<8192xf32, #tpu.memory_space<vmem>> -> memref<64xf32, #tpu.memory_space<vmem>>
        tpu.vector_store_idx %parallel_loop3A_328[%add3A_262], %parallel_loop3A_327 : memref<64xf32, #tpu.memory_space<vmem>>[vector<16xi32>], vector<16xf32>,
        %parallel_loop3A_329 = arith.select %parallel_loop3A_301, %parallel_loop3A_322, %parallel_loop3A_319 : vector<16xi1>, vector<16xf32>
        %parallel_loop3A_330 = tpu.memref_slice %arg11[%parallel_loop3A_291] : memref<8192xf32, #tpu.memory_space<vmem>> -> memref<64xf32, #tpu.memory_space<vmem>>
        tpu.vector_store_idx %parallel_loop3A_330[%add3A_265], %parallel_loop3A_329 : memref<64xf32, #tpu.memory_space<vmem>>[vector<16xi32>], vector<16xf32>,
      } {sc.loop_unroll_factor = 8 : i64, sc.parallel_access}
      %mul3A_271 = arith.constant 2 : i32
      %mul3A_272 = arith.muli %mul3A_271, %scan3A_86 : i32
      %add3A_273 = arith.addi %mul3A_2, %mul3A_272 : i32
      %add3A_274 = arith.constant 1 : i32
      %add3A_275 = arith.addi %add3A_273, %add3A_274 : i32
      %dma_start3A_276 = arith.constant 8192 : i32
      %dma_start3A_277 = tpu.memref_slice %arg3[%add3A_275, %dma_start3A_276] : memref<4096x16384xf32, #tpu.memory_space<hbm>> -> memref<1x8192xf32, #tpu.memory_space<hbm>>
      %dma_start3A_278 = tpu.memref_squeeze %dma_start3A_277 : memref<1x8192xf32, #tpu.memory_space<hbm>> -> memref<8192xf32, #tpu.memory_space<hbm>>
      %dma_start3A_279 = arith.constant 8192 : i32
      %dma_start3A_280 = tpu.memref_slice %arg3[%add3A_275, %dma_start3A_279] : memref<4096x16384xf32, #tpu.memory_space<hbm>> -> memref<1x8192xf32, #tpu.memory_space<hbm>>
      %dma_start3A_281 = tpu.memref_squeeze %dma_start3A_280 : memref<1x8192xf32, #tpu.memory_space<hbm>> -> memref<8192xf32, #tpu.memory_space<hbm>>
      tpu.enqueue_dma source(%arg11 : memref<8192xf32, #tpu.memory_space<vmem>>) target(%dma_start3A_281 : memref<8192xf32, #tpu.memory_space<hbm>>) target_semaphore(%arg19 : memref<!tpu.dma_semaphore, #tpu.memory_space<semaphore_mem>>)
      %add3A_282 = arith.constant 1 : i32
      %add3A_283 = arith.addi %scan3A_86, %add3A_282 : i32
      %lt3A_284 = arith.constant 64 : i32
      %lt3A_285 = arith.cmpi slt, %add3A_283, %lt3A_284 : i32
      %convert_element_type3A_286 = arith.extui %lt3A_285 : i1 to i32
      %cond3A_287 = arith.constant 0 : i32
      %cond3A_288 = arith.cmpi ne, %convert_element_type3A_286, %cond3A_287 : i32
      scf.if %cond3A_288 {
        %add3A_289 = arith.constant 1 : i32
        %add3A_290 = arith.addi %scan3A_86, %add3A_289 : i32
        %mul3A_291 = arith.constant 2 : i32
        %mul3A_292 = arith.muli %mul3A_291, %add3A_290 : i32
        %add3A_293 = arith.addi %mul3A_2, %mul3A_292 : i32
        %add3A_294 = arith.constant 1 : i32
        %add3A_295 = arith.addi %add3A_293, %add3A_294 : i32
        %dma_start3A_296 = arith.constant 8192 : i32
        %dma_start3A_297 = tpu.memref_slice %arg2[%add3A_295, %dma_start3A_296] : memref<4096x16384xf32, #tpu.memory_space<hbm>> -> memref<1x8192xf32, #tpu.memory_space<hbm>>
        %dma_start3A_298 = tpu.memref_squeeze %dma_start3A_297 : memref<1x8192xf32, #tpu.memory_space<hbm>> -> memref<8192xf32, #tpu.memory_space<hbm>>
        %dma_start3A_299 = arith.constant 8192 : i32
        %dma_start3A_300 = tpu.memref_slice %arg2[%add3A_295, %dma_start3A_299] : memref<4096x16384xf32, #tpu.memory_space<hbm>> -> memref<1x8192xf32, #tpu.memory_space<hbm>>
        %dma_start3A_301 = tpu.memref_squeeze %dma_start3A_300 : memref<1x8192xf32, #tpu.memory_space<hbm>> -> memref<8192xf32, #tpu.memory_space<hbm>>
        tpu.enqueue_dma source(%dma_start3A_301 : memref<8192xf32, #tpu.memory_space<hbm>>) target(%arg7 : memref<8192xf32, #tpu.memory_space<vmem>>) target_semaphore(%arg15 : memref<!tpu.dma_semaphore, #tpu.memory_space<semaphore_mem>>)
      } else {
      }
    }
    %scan3A_46 = arith.constant 64 : i32
    %add3A_47 = arith.constant 126 : i32
    %add3A_48 = arith.addi %mul3A_2, %add3A_47 : i32
    %add3A_49 = arith.constant 0 : i32
    %add3A_50 = arith.addi %add3A_48, %add3A_49 : i32
    %dma_wait3A = arith.constant 0 : i32
    %dma_wait3A_51 = tpu.memref_slice %arg3[%add3A_50, %dma_wait3A] : memref<4096x16384xf32, #tpu.memory_space<hbm>> -> memref<1x8192xf32, #tpu.memory_space<hbm>>
    %dma_wait3A_52 = tpu.memref_squeeze %dma_wait3A_51 : memref<1x8192xf32, #tpu.memory_space<hbm>> -> memref<8192xf32, #tpu.memory_space<hbm>>
    %dma_wait3A_53 = arith.constant 0 : i32
    %dma_wait3A_54 = tpu.memref_slice %arg3[%add3A_50, %dma_wait3A_53] : memref<4096x16384xf32, #tpu.memory_space<hbm>> -> memref<1x8192xf32, #tpu.memory_space<hbm>>
    %dma_wait3A_55 = tpu.memref_squeeze %dma_wait3A_54 : memref<1x8192xf32, #tpu.memory_space<hbm>> -> memref<8192xf32, #tpu.memory_space<hbm>>
    tpu.wait_dma2 semaphore(%arg16 : memref<!tpu.dma_semaphore, #tpu.memory_space<semaphore_mem>>) src(%arg8 : memref<8192xf32, #tpu.memory_space<vmem>>) dst(%dma_wait3A_55 : memref<8192xf32, #tpu.memory_space<hbm>>)
    %add3A_56 = arith.constant 126 : i32
    %add3A_57 = arith.addi %mul3A_2, %add3A_56 : i32
    %add3A_58 = arith.constant 0 : i32
    %add3A_59 = arith.addi %add3A_57, %add3A_58 : i32
    %dma_wait3A_60 = arith.constant 8192 : i32
    %dma_wait3A_61 = tpu.memref_slice %arg3[%add3A_59, %dma_wait3A_60] : memref<4096x16384xf32, #tpu.memory_space<hbm>> -> memref<1x8192xf32, #tpu.memory_space<hbm>>
    %dma_wait3A_62 = tpu.memref_squeeze %dma_wait3A_61 : memref<1x8192xf32, #tpu.memory_space<hbm>> -> memref<8192xf32, #tpu.memory_space<hbm>>
    %dma_wait3A_63 = arith.constant 8192 : i32
    %dma_wait3A_64 = tpu.memref_slice %arg3[%add3A_59, %dma_wait3A_63] : memref<4096x16384xf32, #tpu.memory_space<hbm>> -> memref<1x8192xf32, #tpu.memory_space<hbm>>
    %dma_wait3A_65 = tpu.memref_squeeze %dma_wait3A_64 : memref<1x8192xf32, #tpu.memory_space<hbm>> -> memref<8192xf32, #tpu.memory_space<hbm>>
    tpu.wait_dma2 semaphore(%arg17 : memref<!tpu.dma_semaphore, #tpu.memory_space<semaphore_mem>>) src(%arg9 : memref<8192xf32, #tpu.memory_space<vmem>>) dst(%dma_wait3A_65 : memref<8192xf32, #tpu.memory_space<hbm>>)
    %add3A_66 = arith.constant 126 : i32
    %add3A_67 = arith.addi %mul3A_2, %add3A_66 : i32
    %add3A_68 = arith.constant 1 : i32
    %add3A_69 = arith.addi %add3A_67, %add3A_68 : i32
    %dma_wait3A_70 = arith.constant 0 : i32
    %dma_wait3A_71 = tpu.memref_slice %arg3[%add3A_69, %dma_wait3A_70] : memref<4096x16384xf32, #tpu.memory_space<hbm>> -> memref<1x8192xf32, #tpu.memory_space<hbm>>
    %dma_wait3A_72 = tpu.memref_squeeze %dma_wait3A_71 : memref<1x8192xf32, #tpu.memory_space<hbm>> -> memref<8192xf32, #tpu.memory_space<hbm>>
    %dma_wait3A_73 = arith.constant 0 : i32
    %dma_wait3A_74 = tpu.memref_slice %arg3[%add3A_69, %dma_wait3A_73] : memref<4096x16384xf32, #tpu.memory_space<hbm>> -> memref<1x8192xf32, #tpu.memory_space<hbm>>
    %dma_wait3A_75 = tpu.memref_squeeze %dma_wait3A_74 : memref<1x8192xf32, #tpu.memory_space<hbm>> -> memref<8192xf32, #tpu.memory_space<hbm>>
    tpu.wait_dma2 semaphore(%arg18 : memref<!tpu.dma_semaphore, #tpu.memory_space<semaphore_mem>>) src(%arg10 : memref<8192xf32, #tpu.memory_space<vmem>>) dst(%dma_wait3A_75 : memref<8192xf32, #tpu.memory_space<hbm>>)
    %add3A_76 = arith.constant 126 : i32
    %add3A_77 = arith.addi %mul3A_2, %add3A_76 : i32
    %add3A_78 = arith.constant 1 : i32
    %add3A_79 = arith.addi %add3A_77, %add3A_78 : i32
    %dma_wait3A_80 = arith.constant 8192 : i32
    %dma_wait3A_81 = tpu.memref_slice %arg3[%add3A_79, %dma_wait3A_80] : memref<4096x16384xf32, #tpu.memory_space<hbm>> -> memref<1x8192xf32, #tpu.memory_space<hbm>>
    %dma_wait3A_82 = tpu.memref_squeeze %dma_wait3A_81 : memref<1x8192xf32, #tpu.memory_space<hbm>> -> memref<8192xf32, #tpu.memory_space<hbm>>
    %dma_wait3A_83 = arith.constant 8192 : i32
    %dma_wait3A_84 = tpu.memref_slice %arg3[%add3A_79, %dma_wait3A_83] : memref<4096x16384xf32, #tpu.memory_space<hbm>> -> memref<1x8192xf32, #tpu.memory_space<hbm>>
    %dma_wait3A_85 = tpu.memref_squeeze %dma_wait3A_84 : memref<1x8192xf32, #tpu.memory_space<hbm>> -> memref<8192xf32, #tpu.memory_space<hbm>>
    tpu.wait_dma2 semaphore(%arg19 : memref<!tpu.dma_semaphore, #tpu.memory_space<semaphore_mem>>) src(%arg11 : memref<8192xf32, #tpu.memory_space<vmem>>) dst(%dma_wait3A_85 : memref<8192xf32, #tpu.memory_space<hbm>>)
    return
  }
}

</mosaic_0001>

<sc_bundles>
// kernel: kernel.3.cloned.1.call-start
scs
__scs_entry_jumppad:
0x0: {  	(pc) =	sbr.rel $0x88, $3  }
0x1: {  	(tag) =	ssettag $0x0;
	lr =	simm.s32 $0x1  }
0x2: {  	[smem:$0x3FA0] =	sst lr;
	_ =	strace $0xD0000000  }
0x3: {  	_ = 	snop  }
0x4: {  	_ = 	snop  }
0x5: {  	_ = 	snop  }
0x6: {  	_ = 	snop  }
0x7: {  	_ = 	snop  }
__scs_overlays_trampoline_lowered:
0x8: {  	[smem:$0x3FAF] =	sst s0  }
0x9: {  	[smem:$0x3FB0] =	sst s1  }
0xa: {  	[smem:$0x3FB1] =	sst s2  }
0xb: {  	[smem:$0x3FB2] =	sst s3  }
0xc: {  	[smem:$0x3FB3] =	sst s4  }
0xd: {  	[smem:$0x3FB4] =	sst s5  }
0xe: {  	[smem:$0x3FB5] =	sst s6  }
0xf: {  	[smem:$0x3FB6] =	sst s7  }
0x10: {  	[smem:$0x3FB7] =	sst s8  }
0x11: {  	[smem:$0x3FB8] =	sst s9;
	s0 =	simm.s32 @!p0 $0x0  }
0x12: {  	s1 =	sld [smem:$0x3F9E];
	s0 =	simm.s32 @p0 $0x1  }
0x13: {  	[smem:$0x3FB9] =	sst s0;
	s0 =	simm.s32 @!p1 $0x0  }
0x14: {  	s2 =	sld [smem:$0x3F9D];
	s0 =	simm.s32 @p1 $0x1  }
0x15: {  	[smem:$0x3FBA] =	sst s0;
	s0 =	simm.s32 @!p2 $0x0  }
0x16: {  	s3 =	sld [smem:$0x3FDB];
	s0 =	simm.s32 @p2 $0x1  }
0x17: {  	s4 =	simm.s32 $0x1BF5;
	[smem:$0x3FBC] =	sst s0  }
0x18: {  	s0 =	sld [smem:$0x3F9F];
	_ =	swait.ge [sflag:s4], $0x0  }
0x19: {  	s7 =	sld [smem:$0x3FA0]  }
0x1a: {  	s8 =	sadd.s32 $0xFFFFE003, lr  }
0x1b: {  	s9 =	sadd.s32 $0xFFFFFEF7, lr;
	s5 =	simm.s32 $0xFFFFFFFF;
	p2 =	slt.u32 s8, $0xFFFFF086  }
0x1c: {  	p1 =	slt.u32 s9, $0xF7A;
	s5 =	simm.s32 @!p2 $0x0  }
0x1d: {  	s5 =	simm.s32 @p1 $0x1;
	p0 =	seq.s32 s7, s2  }
0x1e: {  	s7 =	smul.u32 @!p0 $0xF7A, s2;
	p2 =	seq.s32 @!p0 s5, $0x0  }
0x1f: {  	s9 =	smul.u32 $0xF7A, s1;
	s8 =	simm.s32 @!p0 $0x1BF5;
	p2 =	por !p2, p0  }
0x20: {  	[sflag:s8] =	ssyncset.s32 @!p0 $0xFFFFF086;
	s6 =	sadd.s32 @!p0 s3, s7;
	s7 =	simm.s32 @!p0 $0x108  }
0x21: {  	s3 =	sadd.s32 s3, s9;
	s6 =	sadd.s32 @!p0 $0x88, s6;
	s7 =	simm.s32 @p2 $0x1082  }
0x22: {  	[simem:s7], [sflag:s8] =	dma.local @!p0 [hbm:s6], $0xF7A  }
0x23: {  	s9 =	sor.u32 $0xD0000000, s2;
	s6 =	simm.s32 $0x108;
	_ =	swait.ge @!p0 [sflag:s8], $0x0  }
0x24: {  	s3 =	sadd.s32 $0x88, s3;
	s6 =	simm.s32 @!p1 $0x1082;
	[sflag:s4] =	ssyncset.s32 $0xFFFFF086  }
0x25: {  	[simem:s6], [sflag:s4] =	dma.local [hbm:s3], $0xF7A  }
0x26: {  	[smem:$0x3FA0] =	sst s1;
	(tag) =	ssettag s2;
	_ =	strace s9  }
0x27: {  	s1 =	sld [smem:$0x3FB0]  }
0x28: {  	s2 =	sld [smem:$0x3FB1]  }
0x29: {  	s4 =	sld [smem:$0x3FB3]  }
0x2a: {  	p0 =	seq.s32 s5, $0x0;
	s5 =	sld [smem:$0x3FB4]  }
0x2b: {  	s6 =	sld [smem:$0x3FB5]  }
0x2c: {  	s7 =	sld [smem:$0x3FB6]  }
0x2d: {  	s3 =	simm.s32 $0x108;
	s8 =	sld [smem:$0x3FB7]  }
0x2e: {  	s3 =	simm.s32 @!p0 $0x1082;
	s9 =	sld [smem:$0x3FB8]  }
0x2f: {  	lr =	sadd.s32 s0, s3;
	s0 =	sld [smem:$0x3FAF]  }
0x30: {  	s3 =	sld [smem:$0x3FB2]  }
0x31: {  	[smem:$0x3FBB] =	sst s10  }
0x32: {  	s10 =	sld [smem:$0x3FB9];
	_ =	sdelay $0x3  }
0x33: {  	p0 =	seq.s32 s10, $0x1;
	s10 =	sld [smem:$0x3FBB];
	_ =	sdelay $0x3  }
0x34: {  	[smem:$0x3FBB] =	sst s10  }
0x35: {  	s10 =	sld [smem:$0x3FBA];
	_ =	sdelay $0x3  }
0x36: {  	p1 =	seq.s32 s10, $0x1;
	s10 =	sld [smem:$0x3FBB];
	_ =	sdelay $0x3  }
0x37: {  	[smem:$0x3FBB] =	sst s10  }
0x38: {  	s10 =	sld [smem:$0x3FBC]  }
0x39: {  	_ = 	snop;
	(pc) =	sbr.ind lr, $3  }
0x3a: {  	_ = 	snop  }
0x3b: {  	_ = 	snop  }
0x3c: {  	p2 =	seq.s32 s10, $0x1;
	s10 =	sld [smem:$0x3FBB]  }
0x3d: {  	_ =	shalt  }
0x3e: {  	_ =	shalt  }
0x3f: {  	_ =	shalt  }
0x40: {  	_ =	shalt  }
0x41: {  	_ =	shalt  }
0x42: {  	_ =	shalt  }
0x43: {  	_ =	shalt  }
0x44: {  	_ =	shalt  }
0x45: {  	_ =	shalt  }
0x46: {  	_ =	shalt  }
0x47: {  	_ =	shalt  }
0x48: {  	_ =	shalt  }
0x49: {  	_ =	shalt  }
0x4a: {  	_ =	shalt  }
0x4b: {  	_ =	shalt  }
0x4c: {  	_ =	shalt  }
0x4d: {  	_ =	shalt  }
0x4e: {  	_ =	shalt  }
0x4f: {  	_ =	shalt  }
0x50: {  	_ =	shalt  }
0x51: {  	_ =	shalt  }
0x52: {  	_ =	shalt  }
0x53: {  	_ =	shalt  }
0x54: {  	_ =	shalt  }
0x55: {  	_ =	shalt  }
0x56: {  	_ =	shalt  }
0x57: {  	_ =	shalt  }
0x58: {  	_ =	shalt  }
0x59: {  	_ =	shalt  }
0x5a: {  	_ =	shalt  }
0x5b: {  	_ =	shalt  }
0x5c: {  	_ =	shalt  }
0x5d: {  	_ =	shalt  }
0x5e: {  	_ =	shalt  }
0x5f: {  	_ =	shalt  }
0x60: {  	_ =	shalt  }
0x61: {  	_ =	shalt  }
0x62: {  	_ =	shalt  }
0x63: {  	_ =	shalt  }
0x64: {  	_ =	shalt  }
0x65: {  	_ =	shalt  }
0x66: {  	_ =	shalt  }
0x67: {  	_ =	shalt  }
0x68: {  	_ =	shalt  }
0x69: {  	_ =	shalt  }
0x6a: {  	_ =	shalt  }
0x6b: {  	_ =	shalt  }
0x6c: {  	_ =	shalt  }
0x6d: {  	_ =	shalt  }
0x6e: {  	_ =	shalt  }
0x6f: {  	_ =	shalt  }
0x70: {  	_ =	shalt  }
0x71: {  	_ =	shalt  }
0x72: {  	_ =	shalt  }
0x73: {  	_ =	shalt  }
0x74: {  	_ =	shalt  }
0x75: {  	_ =	shalt  }
0x76: {  	_ =	shalt  }
0x77: {  	_ =	shalt  }
0x78: {  	_ =	shalt  }
0x79: {  	_ =	shalt  }
0x7a: {  	_ =	shalt  }
0x7b: {  	_ =	shalt  }
0x7c: {  	_ =	shalt  }
0x7d: {  	_ =	shalt  }
0x7e: {  	_ =	shalt  }
0x7f: {  	_ =	shalt  }
0x80: {  	_ =	shalt  }
0x81: {  	_ =	shalt  }
0x82: {  	_ =	shalt  }
0x83: {  	_ =	shalt  }
0x84: {  	_ =	shalt  }
0x85: {  	_ =	shalt  }
0x86: {  	_ =	shalt  }
0x87: {  	_ =	shalt  }
.Lfunc_end0:
.L_simem_size_0:
called_computation_lowered:
.L_overlay_start_0:
0x88: {  	s2 =	sld [smem:$0x3FD9]  }
0x89: {  	s3 =	sld [smem:$0x3FFE];
	_ =	sdelay $0x1  }
0x8a: {  	s1 =	srdreg.scid  }
0x8b: {  	s0 =	sand.u32 $0x1, s1  }
0x8c: {  	s18 =	sshll.u32 s0, $0xA;
	s2 =	sadd.s32 s3, s2  }
0x8d: {  	s2 =	sadd.s32 s2, s18  }
0x8e: {  	[smem:$0x3FC7] =	sst s2  }
0x8f: {  	_ = 	snop  }
0x90: {  	s2 =	sld [smem:$0x3FC9]  }
0x91: {  	s19 =	sld [smem:$0x3FD0];
	(tm) =	ssettm $0x1  }
0x92: {  	s4 =	sld [smem:$0x3FFB];
	_ =	sdelay $0x3  }
0x93: {  	_ =	strace s4  }
0x94: {  	s4 =	sld [smem:$0x3FFC];
	_ =	sdelay $0x3  }
0x95: {  	_ =	strace s4  }
0x96: {  	s4 =	sld [smem:$0x3FFD];
	_ =	sdelay $0x3  }
0x97: {  	_ =	strace s4  }
0x98: {  	_ =	strace $0x8FFFFFFF  }
0x99: {  	s20 =	sld [smem:$0x3FDB];
	_ =	sdelay $0x1  }
0x9a: {  	s5 =	simm.s32 $_scs_section_size  }
0x9b: {  	s6 =	simm.s32 $_size__tile_overlayer_lowered;
	s7 =	simm.s32 $_tile_overlayer_lowered  }
0x9c: {  	s23 =	simm.s32 $0x1BFF;
	s22 =	sshll.u32 s7, $0x1;
	s4 =	sadd.s32 s5, s20  }
0x9d: {  	s8 =	simm.s32 $0x0;
	s21 =	sshll.u32 s6, $0x1;
	s6 =	sadd.s32 s22, s4  }
0x9e: {  	[timem:s8], [sflag:s23] =	dma.local [hbm:s6], s21  }
0x9f: {  	_ =	swait.ge [sflag:s23], s21  }
0xa0: {  	s5 =	ssub.s32 $0x0, s21;
	[sflag:s23] =	ssyncset.done $0x0  }
0xa1: {  	[sflag:s23] =	ssyncadd.s32 s5;
	_ =	sdelay $0x1  }
0xa2: {  	s24 =	simm.s32 $0x1B8B  }
0xa3: {  	_ =	swait.ge [sflag:s24], $0x1  }
0xa4: {  	[sflag:s24] =	ssyncset.done $0x0  }
0xa5: {  	s25 =	simm.s32 $0x1B8E;
	[sflag:s24] =	ssyncadd.s32 $0xFFFFFFFF  }
0xa6: {  	s26 =	simm.s32 $execute0_lowered;
	[smem:$0x3FD2] =	sst s25  }
0xa7: {  	s5 =	sshll.u32 s26, $0x1;
	_ =	strace $0x80000046;
	[dreg:$0x1] =	wrdreg $0xFFFFFFFF  }
0xa8: {  	s28 =	simm.s32 $_size_execute0_lowered;
	s4 =	sadd.s32 s4, s5;
	[dreg:$0x0] =	wrdreg $0x0  }
0xa9: {  	s5 =	sshll.u32 s28, $0x1;
	[dreg:$0x2] =	wrdreg s4  }
0xaa: {  	[dreg:$0x3] =	wrdreg s5  }
0xab: {  	[dreg:$0x4] =	wrdreg $0xC0  }
0xac: {  	_ =	task [dreg:s8], $0x5FFFF  }
0xad: {  	[dreg:$0x1] =	wrdreg $0xFFFFFFFF  }
0xae: {  	[dreg:$0x0] =	wrdreg $0x60  }
0xaf: {  	[dreg:$0x2] =	wrdreg s2  }
0xb0: {  	[dreg:$0x3] =	wrdreg s19  }
0xb1: {  	[dreg:$0x4] =	wrdreg $0x9  }
0xb2: {  	_ =	task.clear_ibuf [dreg:s8], $0x5FFFF;
	_ =	strace $0x90000046  }
0xb3: {  	s29 =	simm.s32 $0x9;
	_ =	strace $0x80000048  }
0xb4: {  	_ =	swait.ge [sflag:s29], $0x1  }
0xb5: {  	[sflag:s29] =	ssyncadd.s32 $0xFFFFFFFF  }
0xb6: {  	_ =	strace $0x90000048  }
0xb7: {  	_ =	sfence  }
0xb8: {  	s30 =	sld [smem:$0x0];
	_ =	sdelay $0x2  }
0xb9: {  	s31 =	sshll.u32 s1, $0xD;
	s1 =	sshrl.u32 s1, $0x2  }
0xba: {  	s3 =	sand.u32 $0x4000, s31;
	s1 =	sadd.s32 s1, s30  }
0xbb: {  	s0 =	sor.u32 s3, s0;
	s1 =	sshll.u32 s1, $0x11  }
0xbc: {  	s0 =	sor.u32 s1, s0  }
0xbd: {  	s0 =	sadd.s32 $0x8F2B, s0  }
0xbe: {  	[sflag:s0] =	ssyncadd.remote.s32 $0x1  }
0xbf: {  	_ =	sfence.sel $0xFFFF  }
0xc0: {  	[dreg:$0x0] =	wrdreg $0xFFFFFFFF;
	(pc) =	sbr.abs _section_cstart, $3  }
0xc1: {  	[dreg:$0x1] =	wrdreg $0xFFFFFFFF  }
0xc2: {  	_ =	task.clear_ibuf [dreg:s8], $0x2FFFF;
	_ =	strace $0x9FFFFFFF  }
0xc3: {  	(tm) =	ssettm $0x7FFFFFFF  }
tec
execute0_lowered:
.L_overlay_start_1:
0x0: {  	(tag) =	ssettag $0x1  }
0x1: {  	s1 =	rddreg [dreg:$0x0]  }
0x2: {  	s3 =	rddreg [dreg:$0x1];
	s0 =	srdreg.scid  }
0x3: {  	s4 =	simm.s32 $0x0;
	s5 =	stileid.u32;
	s15 =	simm.s32 $0x80  }
0x4: {  	s16 =	simm.s32 $0x400;
	s17 =	simm.s32 $0x2000;
	s18 =	simm.s32 $0x4000  }
0x5: {  	s20 =	simm.s32 $0x1;
	s21 =	simm.s32 $0x8000;
	s22 =	simm.s32 $0x2  }
0x6: {  	s23 =	simm.s32 $0x6;
	s28 =	simm.s32 $0xC000;
	s29 =	simm.s32 $0x4  }
0x7: {  	s30 =	simm.s32 $0x8;
	s31 =	simm.s32 $0xE000;
	s0 =	sand.u32 $0x1, s0  }
0x8: {  	s5 =	sshll.u32 s5, $0x8;
	s2 =	ssub.s32 $0x2, s0;
	s0 =	sshll.u32 s0, $0x7  }
0x9: {  	[smem:$0x7FF] =	sst s4;
	s7 =	sadd.s32 $0x2000, s1;
	s0 =	sor.u32 s0, s5  }
0xa: {  	s8 =	sadd.s32 $0x2010, s1;
	s13 =	sadd.s32 $0x2000, s3;
	s5 =	sshll.u32 s0, $0xB  }
0xb: {  	_ =	strace $0x80000047;
	s6 =	sshrl.u32 s2, $0x1;
	s9 =	sadd.s32 s5, s7  }
0xc: {  	s2 =	ssub.s32 s2, s6;
	s24 =	sadd.s32 s1, s5;
	[dreg:$0x4] =	wrdreg s9  }
0xd: {  	v0 =	vlaneseq.u32;
	s12 =	sshll.u32 s0, $0xE;
	s25 =	sadd.s32 s5, s8;
	[dreg:$0x3] =	wrdreg s24  }
0xe: {  	v0 =	vmul.u32 $0x4, v0;
	s26 =	smax.u32 s2, $0x1;
	s2 =	simm.s32 $0x0;
	[dreg:$0x6] =	wrdreg s25  }
0xf: {  	v4 =	vimm.f32 $0.0e+00;
	v5 =	vimm.f32 $1.000000000e+00;
	s6 =	sadd.s32 $0x10, s24;
	[dreg:$0x7] =	wrdreg s26;
	s24 =	simm.s32 $0xA000  }
0x10: {  	v1 =	vor.u32 $0x1, v0;
	v2 =	vor.u32 $0x2, v0;
	v3 =	vor.u32 $0x3, v0;
	s25 =	simm.s32 $0x3;
	s26 =	simm.s32 $0x7;
	[dreg:$0x5] =	wrdreg s6  }
.LBB2_1:
0x11: {  	s0 =	rddreg [dreg:$0x3]  }
0x12: {  	[tilespmem:s4], [sflag:$0x1] =	stream.strided.gather [hbm4b:s0+s15], $0x2000, s16, s15, $0x38;
	[tilespmem:$0x10000] =	vst v63  }
0x13: {  	s11 =	rddreg [dreg:$0x4]  }
0x14: {  	[tilespmem:s17], [sflag:$0x2] =	stream.strided.gather [hbm4b:s11+s15], $0x2000, s16, s15, $0x38;
	[tilespmem:$0x10000] =	vst v63  }
0x15: {  	s14 =	rddreg [dreg:$0x5]  }
0x16: {  	[tilespmem:s18], [sflag:$0x3] =	stream.strided.gather [hbm4b:s14+s15], $0x2000, s16, s15, $0x38;
	[tilespmem:$0x10000] =	vst v63  }
0x17: {  	s19 =	rddreg [dreg:$0x6];
	s6 =	simm.s32 $0x6000;
	s9 =	simm.s32 $0x0  }
0x18: {  	[tilespmem:s6], [sflag:$0x4] =	stream.strided.gather [hbm4b:s19+s15], $0x2000, s16, s15, $0x38;
	[tilespmem:$0x10000] =	vst v63  }
.LBB2_2:
0x19: {  	_ =	swait.ge [sflag:s20], $0x2000  }
0x1a: {  	p0 =	seq.s32 s9, $0x0;
	[sflag:s20] =	ssyncset.done $0x0  }
0x1b: {  	s0 =	simm.s32 @!p0 $0x5;
	[sflag:s20] =	ssyncadd.s32 $0xFFFFE000  }
0x1c: {  	_ =	swait.ge @!p0 [sflag:s0], $0x2000  }
0x1d: {  	[sflag:s0] =	ssyncset.done @!p0 $0x0  }
0x1e: {  	s19 =	simm.s32 $0x0;
	[sflag:s0] =	ssyncadd.s32 @!p0 $0xFFFFE000  }
0x1f: {  	v6 =	vld.idx.msk [tilespmem:v0+s19+$0x1C0], $0xffff  }
0x20: {  	v7 =	vld.idx.msk [tilespmem:v1+s19+$0x1C0], $0xffff  }
0x21: {  	v8 =	vld.idx.msk [tilespmem:v2+s19+$0x1C0], $0xffff  }
0x22: {  	v9 =	vld.idx.msk [tilespmem:v3+s19+$0x1C0], $0xffff  }
0x23: {  	v10 =	vld.idx.msk [tilespmem:v0+s19+$0x0], $0xffff  }
0x24: {  	v11 =	vld.idx.msk [tilespmem:v1+s19+$0x0], $0xffff  }
0x25: {  	v12 =	vld.idx.msk [tilespmem:v2+s19+$0x0], $0xffff  }
0x26: {  	v13 =	vld.idx.msk [tilespmem:v3+s19+$0x0], $0xffff  }
0x27: {  	v15 =	vld.idx.msk [tilespmem:v0+s19+$0x40], $0xffff;
	vm0 =	vge.f32 v6, v7;
	vm1 =	vge.f32 v8, v9  }
0x28: {  	v16 =	vld.idx.msk [tilespmem:v1+s19+$0x40], $0xffff;
	v14 =	vsel vm0, v6, v7;
	v6 =	vsel vm0, v7, v6;
	v7 =	vsel vm1, v8, v9  }
0x29: {  	v17 =	vld.idx.msk [tilespmem:v2+s19+$0x40], $0xffff;
	vm5 =	vge.f32 v10, v11;
	vm3 =	vge.f32 v6, v7;
	v6 =	vimm.s32 $0x0  }
0x2a: {  	v8 =	vsel vm1, v9, v8;
	v9 =	vld.idx.msk [tilespmem:v3+s19+$0x40], $0xffff;
	v20 =	vsel vm5, v10, v11;
	v6 =	vsel vm5, $0xFFFFFFFF, v6  }
0x2b: {  	v10 =	vsel vm5, v11, v10;
	vm2 =	vge.f32 v14, v7;
	vm4 =	vge.f32 v14, v8;
	[tilespmem:$0x1FFA0] =	vst v6  }
0x2c: {  	vm4 =	vmor vm2, vm4;
	vm2 =	vmand vm2, vm3;
	vm3 =	vge.f32 v12, v13;
	v18 =	vld.idx.msk [tilespmem:v0+s19+$0x80], $0xffff  }
0x2d: {  	v6 =	vsel vm4, $0x3F800000, v4;
	v8 =	vsel vm2, $0x3F800000, v4;
	v22 =	vsel vm2, $0x0, v5;
	v19 =	vld.idx.msk [tilespmem:v1+s19+$0x80], $0xffff  }
0x2e: {  	v23 =	vsel vm4, $0x0, v5;
	v11 =	vld.idx.msk [tilespmem:v2+s19+$0x80], $0xffff;
	v7 =	vsel vm0, v6, v8;
	v6 =	vsel vm0, v8, v6  }
0x2f: {  	v21 =	vld.idx.msk [tilespmem:v3+s19+$0x80], $0xffff;
	v14 =	vsel vm1, v22, v23;
	v8 =	vsel vm1, v23, v22;
	v22 =	vimm.s32 $0x0  }
0x30: {  	vm0 =	vge.f32 v15, v16;
	v24 =	vld.idx.msk [tilespmem:v0+s19+$0xC0], $0xffff;
	v23 =	vimm.s32 $0x0;
	v22 =	vsel vm3, $0xFFFFFFFF, v22  }
0x31: {  	v26 =	vimm.s32 $0x0;
	v25 =	vld.idx.msk [tilespmem:v1+s19+$0xC0], $0xffff;
	vm2 =	vge.f32 v17, v9;
	v23 =	vsel vm0, $0xFFFFFFFF, v23;
	[tilespmem:$0x1FFB0] =	vst v22  }
0x32: {  	v22 =	vsel vm3, v12, v13;
	v12 =	vsel vm3, v13, v12;
	v26 =	vsel vm2, $0xFFFFFFFF, v26;
	v13 =	vld.idx.msk [tilespmem:v2+s19+$0xC0], $0xffff  }
0x33: {  	[tilespmem:$0x1FFC0] =	vst v23;
	v23 =	vsel vm0, v15, v16;
	v15 =	vsel vm0, v16, v15;
	vm0 =	vge.f32 v20, v22  }
0x34: {  	v16 =	vld.idx.msk [tilespmem:v3+s19+$0xC0], $0xffff;
	[tilespmem:$0x1FFD0] =	vst v26;
	v26 =	vsel vm2, v17, v9;
	v9 =	vsel vm2, v9, v17  }
0x35: {  	v17 =	vimm.s32 $0x0;
	vm2 =	vge.f32 v10, v22;
	vm1 =	vge.f32 v18, v19  }
0x36: {  	v10 =	vimm.s32 $0x0;
	vm3 =	vge.f32 v11, v21;
	v17 =	vsel vm1, $0xFFFFFFFF, v17  }
0x37: {  	vm5 =	vge.f32 v23, v26;
	vm6 =	vge.f32 v15, v26;
	vm7 =	vge.f32 v23, v9;
	[tilespmem:$0x1FFE0] =	vst v17  }
0x38: {  	v10 =	vsel vm3, $0xFFFFFFFF, v10;
	v17 =	vsel vm1, v18, v19;
	v18 =	vsel vm1, v19, v18;
	v27 =	vld.idx.msk [tilespmem:v0+s19+$0x100], $0xffff  }
0x39: {  	vm15 =	vmand vm0, vm2;
	v19 =	vld.idx.msk [tilespmem:v1+s19+$0x100], $0xffff;
	[tilespmem:$0x1FFF0] =	vst v10;
	v10 =	vsel vm3, v11, v21;
	v11 =	vsel vm3, v21, v11  }
0x3a: {  	vm3 =	vge.f32 v20, v12;
	v21 =	vld.idx.msk [tilespmem:v2+s19+$0x100], $0xffff;
	vm10 =	vge.f32 v13, v16;
	vm9 =	vge.f32 v18, v10  }
0x3b: {  	v12 =	vld.idx.msk [tilespmem:v3+s19+$0x100], $0xffff;
	vm1 =	vmor vm0, vm3;
	v18 =	vimm.s32 $0x0;
	vm0 =	vge.f32 v17, v11  }
0x3c: {  	v22 =	vld.idx.msk [tilespmem:v0+s19+$0x140], $0xffff;
	v11 =	vimm.s32 $0x0;
	v18 =	vsel vm1, $0xFFFFFFFF, v18;
	vm1 =	vmor vm5, vm7  }
0x3d: {  	vm8 =	vge.f32 v17, v10;
	v9 =	vld.idx.msk [tilespmem:v1+s19+$0x140], $0xffff;
	v10 =	vsel vm10, v13, v16;
	v11 =	vsel vm1, $0xFFFFFFFF, v11  }
0x3e: {  	v13 =	vsel vm10, v16, v13;
	v16 =	vld.idx.msk [tilespmem:v2+s19+$0x140], $0xffff;
	vm1 =	vmand vm5, vm6;
	[tilespmem:$0x1FF60] =	vst v11;
	v11 =	vimm.s32 $0x0  }
0x3f: {  	[tilespmem:$0x1FF40] =	vst v18;
	v11 =	vsel vm1, $0xFFFFFFFF, v11  }
0x40: {  	vm14 =	vge.f32 v24, v25;
	vm0 =	vmor vm8, vm0;
	v18 =	vimm.s32 $0x0;
	[tilespmem:$0x1FF50] =	vst v11  }
0x41: {  	v15 =	vsel vm14, v24, v25;
	v18 =	vsel vm0, $0xFFFFFFFF, v18;
	v11 =	vld.idx.msk [tilespmem:v3+s19+$0x140], $0xffff  }
0x42: {  	v20 =	vsel vm14, v25, v24;
	vm0 =	vmand vm8, vm9;
	v17 =	vld.idx.msk [tilespmem:v0+s19+$0x180], $0xffff;
	[tilespmem:$0x1FF80] =	vst v18;
	v18 =	vimm.s32 $0x0  }
0x43: {  	vm2 =	vge.f32 v15, v10;
	v18 =	vsel vm0, $0xFFFFFFFF, v18;
	vm0 =	vge.f32 v15, v13  }
0x44: {  	vm11 =	vge.f32 v27, v19;
	v15 =	vimm.s32 $0x0;
	[tilespmem:$0x1FF70] =	vst v18;
	vm0 =	vmor vm2, vm0  }
0x45: {  	vm12 =	vge.f32 v21, v12;
	v18 =	vsel vm11, v19, v27;
	v13 =	vld.idx.msk [tilespmem:v1+s19+$0x180], $0xffff;
	v15 =	vsel vm0, $0xFFFFFFFF, v15  }
0x46: {  	vm0 =	vge.f32 v20, v10;
	v10 =	vsel vm11, v27, v19;
	v19 =	vsel vm12, v21, v12;
	[tilespmem:$0x1FF90] =	vst v15  }
0x47: {  	v12 =	vsel vm12, v12, v21;
	vm6 =	vmand vm2, vm0;
	vm0 =	vge.f32 v10, v19;
	v15 =	vld.idx.msk [tilespmem:v2+s19+$0x180], $0xffff  }
0x48: {  	vm2 =	vge.f32 v18, v19;
	vm13 =	vge.f32 v10, v12;
	v18 =	vimm.s32 $0x0;
	v20 =	vld.idx.msk [tilespmem:v3+s19+$0x180], $0xffff  }
0x49: {  	vm8 =	vmor vm0, vm13;
	vm13 =	vge.f32 v22, v9;
	vm1 =	vge.f32 v16, v11  }
0x4a: {  	vm4 =	vmand vm0, vm2;
	v10 =	vsel vm13, v22, v9;
	v12 =	vsel vm1, v16, v11  }
0x4b: {  	v11 =	vsel vm1, v11, v16;
	vm7 =	vge.f32 v10, v12;
	vm0 =	vge.f32 v17, v13  }
0x4c: {  	v16 =	vsel vm0, v17, v13;
	v18 =	vsel vm0, $0xFFFFFFFF, v18;
	v13 =	vsel vm0, v13, v17  }
0x4d: {  	vm0 =	vge.f32 v10, v11;
	v10 =	vimm.s32 $0x0;
	vm2 =	vge.f32 v15, v20  }
0x4e: {  	v11 =	vld [tilespmem:$0x1FF40];
	v17 =	vsel vm2, v15, v20;
	v10 =	vsel vm2, $0xFFFFFFFF, v10  }
0x4f: {  	v9 =	vsel vm13, v9, v22;
	[tilespmem:$0x1FF30] =	vst v10;
	v10 =	vsel vm2, v20, v15;
	vm3 =	vge.f32 v13, v17;
	v13 =	vld [tilespmem:$0x1FF50]  }
0x50: {  	vm5 =	vmor vm7, vm0;
	vm0 =	vge.f32 v16, v17;
	vm2 =	vge.f32 v16, v10;
	v16 =	vld [tilespmem:$0x1FF60]  }
0x51: {  	vm9 =	vge.f32 v9, v12  }
0x52: {  	vm9 =	vmand vm7, vm9;
	vm7 =	vmand vm0, vm3  }
0x53: {  	vm2 =	vmor vm0, vm2;
	vm0 =	vmmov vm1;
	vm1 =	vnez.u8 v11  }
0x54: {  	v11 =	vsel vm1, $0x3F800000, v4;
	v12 =	vsel vm1, $0x0, v5;
	vm1 =	vnez.u8 v13  }
0x55: {  	v13 =	vsel vm1, $0x3F800000, v4;
	v15 =	vsel vm1, $0x0, v5;
	vm1 =	vnez.u8 v16;
	v16 =	vld [tilespmem:$0x1FF70];
	_ =	sdelay $0x4  }
0x56: {  	v17 =	vsel vm1, $0x3F800000, v4;
	v19 =	vsel vm1, $0x0, v5;
	vm1 =	vnez.u8 v16;
	v16 =	vld [tilespmem:$0x1FF80];
	_ =	sdelay $0x4  }
0x57: {  	v20 =	vsel vm1, $0x3F800000, v4;
	v21 =	vsel vm1, $0x0, v5;
	vm1 =	vnez.u8 v16;
	v16 =	vld [tilespmem:$0x1FF90];
	_ =	sdelay $0x4  }
0x58: {  	v22 =	vsel vm1, $0x3F800000, v4;
	v29 =	vsel vm1, $0x0, v5;
	vm1 =	vnez.u8 v16;
	v16 =	vld [tilespmem:$0x1FFA0];
	_ =	sdelay $0x3  }
0x59: {  	v9 =	vsel vm15, $0x3F800000, v4  }
0x5a: {  	v36 =	vsel vm1, $0x3F800000, v4;
	v37 =	vsel vm1, $0x0, v5;
	vm1 =	vnez.u8 v16  }
0x5b: {  	v16 =	vsel vm1, v11, v9;
	v30 =	vsel vm1, v9, v11;
	v9 =	vld [tilespmem:$0x1FFB0];
	_ =	sdelay $0x4  }
0x5c: {  	vm1 =	vnez.u8 v9;
	v9 =	vld [tilespmem:$0x1FFC0];
	_ =	sdelay $0x3  }
0x5d: {  	v10 =	vsel vm15, $0x0, v5  }
0x5e: {  	v33 =	vsel vm1, v10, v12;
	v32 =	vsel vm1, v12, v10;
	vm1 =	vnez.u8 v9;
	v9 =	vld [tilespmem:$0x1FFD0];
	_ =	sdelay $0x4  }
0x5f: {  	v31 =	vsel vm1, v17, v13;
	v28 =	vsel vm1, v13, v17;
	vm1 =	vnez.u8 v9;
	v9 =	vld [tilespmem:$0x1FFE0];
	_ =	sdelay $0x1  }
0x60: {  	v34 =	vsel vm6, $0x3F800000, v4;
	v35 =	vsel vm6, $0x0, v5;
	v38 =	vsel vm4, $0x3F800000, v4  }
0x61: {  	v39 =	vsel vm4, $0x0, v5;
	v40 =	vsel vm8, $0x3F800000, v4;
	v41 =	vsel vm8, $0x0, v5  }
0x62: {  	v42 =	vsel vm9, $0x3F800000, v4;
	[tilespmem:$0x1FF20] =	vst v18;
	v18 =	vsel vm9, $0x0, v5;
	v63 =	vsel vm5, $0x3F800000, v4  }
0x63: {  	v27 =	vsel vm1, v15, v19;
	v26 =	vsel vm1, v19, v15;
	vm1 =	vnez.u8 v9;
	v9 =	vld [tilespmem:$0x1FFF0]  }
0x64: {  	v11 =	vsel vm11, v38, v40;
	v12 =	vsel vm11, v40, v38;
	v10 =	vsel vm12, v39, v41  }
0x65: {  	v13 =	vsel vm10, v37, v35;
	v17 =	vsel vm7, $0x3F800000, v4;
	v15 =	vsel vm10, v35, v37;
	[tilespmem:v0+s19+$0x81C0] =	vst.idx.msk $0xffff, v7  }
0x66: {  	v19 =	vsel vm5, $0x0, v5;
	v7 =	vsel vm12, v41, v39;
	v25 =	vsel vm1, v22, v20;
	[tilespmem:v1+s19+$0x81C0] =	vst.idx.msk $0xffff, v6  }
0x67: {  	s14 =	sshll.u32 s9, $0xF;
	v35 =	vsel vm2, $0x3F800000, v4;
	v24 =	vsel vm1, v20, v22;
	v20 =	vsel vm14, v34, v36;
	[tilespmem:v2+s19+$0x81C0] =	vst.idx.msk $0xffff, v14  }
0x68: {  	s6 =	sshll.u32 s9, $0x8;
	s0 =	sand.u32 $0x1E0000, s14;
	v6 =	vsel vm13, v42, v63;
	[tilespmem:v3+s19+$0x81C0] =	vst.idx.msk $0xffff, v8;
	v8 =	vsel vm0, v18, v19;
	vm1 =	vnez.u8 v9  }
0x69: {  	s6 =	sand.u32 $0x300, s6;
	s0 =	sor.u32 s12, s0;
	v9 =	vsel vm13, v63, v42;
	v23 =	vsel vm1, v21, v29;
	v22 =	vsel vm1, v29, v21  }
0x6a: {  	s11 =	simm.s32 $0x0;
	s14 =	simm.s32 $0x800;
	s10 =	sor.u32 s6, s0;
	v21 =	vsel vm14, v36, v34;
	v29 =	vsel vm7, $0x0, v5;
	v34 =	vsel vm2, $0x0, v5  }
.LBB2_3:
0x6b: {  	v14 =	vld [tilespmem:$0x1FF20];
	_ =	sdelay $0x4  }
0x6c: {  	v19 =	vsel vm0, v19, v18;
	vm0 =	vnez.u8 v14;
	v14 =	vld [tilespmem:$0x1FF30]  }
0x6d: {  	s6 =	sshra.s32 s14, $0x2;
	[tilespmem:v0+s19+$0x8000] =	vst.idx.msk $0xffff, v16  }
0x6e: {  	v42 =	vld.idx.msk [tilespmem:v0+s6+$0x1C0], $0xffff;
	[tilespmem:v1+s19+$0x8000] =	vst.idx.msk $0xffff, v30  }
0x6f: {  	v30 =	vld.idx.msk [tilespmem:v2+s6+$0x1C0], $0xffff;
	[tilespmem:v2+s19+$0x8000] =	vst.idx.msk $0xffff, v33  }
0x70: {  	v43 =	vld.idx.msk [tilespmem:v3+s6+$0x1C0], $0xffff;
	[tilespmem:v3+s19+$0x8000] =	vst.idx.msk $0xffff, v32  }
0x71: {  	v32 =	vld.idx.msk [tilespmem:v0+s6+$0x0], $0xffff;
	v18 =	vsel vm0, v35, v17;
	v17 =	vsel vm0, v17, v35;
	vm0 =	vnez.u8 v14  }
0x72: {  	[tilespmem:v0+s19+$0x8040] =	vst.idx.msk $0xffff, v31;
	v16 =	vsel vm0, v29, v34;
	v14 =	vsel vm0, v34, v29;
	v29 =	vld.idx.msk [tilespmem:v1+s6+$0x1C0], $0xffff  }
0x73: {  	[tilespmem:v0+s19+$0x8080] =	vst.idx.msk $0xffff, v25;
	v31 =	vld.idx.msk [tilespmem:v1+s6+$0x0], $0xffff  }
0x74: {  	[tilespmem:v1+s19+$0x8040] =	vst.idx.msk $0xffff, v28  }
0x75: {  	[tilespmem:v2+s19+$0x8040] =	vst.idx.msk $0xffff, v27;
	v28 =	vld.idx.msk [tilespmem:v2+s6+$0x0], $0xffff  }
0x76: {  	[tilespmem:v3+s19+$0x8040] =	vst.idx.msk $0xffff, v26;
	v27 =	vld.idx.msk [tilespmem:v3+s6+$0x0], $0xffff  }
0x77: {  	[tilespmem:v1+s19+$0x8080] =	vst.idx.msk $0xffff, v24;
	v24 =	vld.idx.msk [tilespmem:v2+s6+$0x40], $0xffff;
	vm0 =	vge.f32 v30, v43;
	vm1 =	vge.f32 v42, v29  }
0x78: {  	v46 =	vld.idx.msk [tilespmem:v3+s6+$0x40], $0xffff;
	vm5 =	vge.f32 v32, v31;
	v45 =	vsel vm0, v30, v43;
	v44 =	vsel vm1, v42, v29  }
0x79: {  	v30 =	vsel vm0, v43, v30;
	v29 =	vsel vm1, v29, v42;
	vm2 =	vge.f32 v44, v45  }
0x7a: {  	v26 =	vld.idx.msk [tilespmem:v0+s6+$0x40], $0xffff;
	vm3 =	vge.f32 v29, v45;
	vm4 =	vge.f32 v44, v30;
	v29 =	vimm.s32 $0x0  }
0x7b: {  	v25 =	vld.idx.msk [tilespmem:v1+s6+$0x40], $0xffff;
	v29 =	vsel vm5, $0xFFFFFFFF, v29;
	vm4 =	vmor vm2, vm4  }
0x7c: {  	vm2 =	vmand vm2, vm3;
	vm3 =	vge.f32 v28, v27;
	[tilespmem:$0x1FE70] =	vst v29;
	v30 =	vsel vm4, $0x3F800000, v4  }
0x7d: {  	v29 =	vld.idx.msk [tilespmem:v0+s6+$0x80], $0xffff;
	[tilespmem:v2+s19+$0x8080] =	vst.idx.msk $0xffff, v23;
	v47 =	vsel vm2, $0x3F800000, v4;
	v37 =	vsel vm2, $0x0, v5;
	vm2 =	vge.f32 v24, v46  }
0x7e: {  	v52 =	vimm.s32 $0x0;
	v53 =	vsel vm3, v28, v27;
	v27 =	vsel vm3, v27, v28;
	v23 =	vld.idx.msk [tilespmem:v1+s6+$0x80], $0xffff;
	[tilespmem:v3+s19+$0x8080] =	vst.idx.msk $0xffff, v22  }
0x7f: {  	v22 =	vsel vm5, v32, v31;
	v31 =	vsel vm5, v31, v32;
	v49 =	vsel vm1, v30, v47  }
0x80: {  	v38 =	vsel vm4, $0x0, v5;
	v30 =	vsel vm1, v47, v30;
	vm1 =	vge.f32 v26, v25;
	[tilespmem:v0+s6+$0x81C0] =	vst.idx.msk $0xffff, v49  }
0x81: {  	v54 =	vimm.s32 $0x0;
	v55 =	vsel vm2, v24, v46;
	v48 =	vld.idx.msk [tilespmem:v2+s6+$0x80], $0xffff;
	[tilespmem:v1+s6+$0x81C0] =	vst.idx.msk $0xffff, v30;
	v30 =	vsel vm0, v37, v38  }
0x82: {  	v56 =	vimm.s32 $0x0;
	v24 =	vsel vm2, v46, v24;
	v36 =	vld.idx.msk [tilespmem:v3+s6+$0x80], $0xffff;
	[tilespmem:v2+s6+$0x81C0] =	vst.idx.msk $0xffff, v30;
	v30 =	vsel vm0, v38, v37  }
0x83: {  	v50 =	vld.idx.msk [tilespmem:v0+s6+$0xC0], $0xffff;
	vm5 =	vge.f32 v31, v53;
	v31 =	vimm.s32 $0x0;
	[tilespmem:v3+s6+$0x81C0] =	vst.idx.msk $0xffff, v30;
	v30 =	vimm.s32 $0x0  }
0x84: {  	v51 =	vld.idx.msk [tilespmem:v1+s6+$0xC0], $0xffff;
	v37 =	vsel vm3, $0xFFFFFFFF, v52;
	v38 =	vsel vm2, $0xFFFFFFFF, v54;
	v30 =	vsel vm1, $0xFFFFFFFF, v30  }
0x85: {  	vm3 =	vge.f32 v22, v27;
	vm0 =	vge.f32 v29, v23;
	[tilespmem:$0x1FE90] =	vst v30;
	v30 =	vsel vm1, v26, v25  }
0x86: {  	v25 =	vsel vm1, v25, v26;
	v33 =	vsel vm0, $0xFFFFFFFF, v56;
	v57 =	vsel vm0, v29, v23  }
0x87: {  	v39 =	vld.idx.msk [tilespmem:v0+s6+$0x100], $0xffff;
	vm1 =	vge.f32 v22, v53;
	vm2 =	vge.f32 v48, v36;
	v23 =	vsel vm0, v23, v29  }
0x88: {  	v28 =	vld.idx.msk [tilespmem:v2+s6+$0xC0], $0xffff;
	v22 =	vimm.s32 $0x0;
	v31 =	vsel vm2, $0xFFFFFFFF, v31;
	v32 =	vsel vm2, v36, v48  }
0x89: {  	v26 =	vld.idx.msk [tilespmem:v3+s6+$0xC0], $0xffff;
	vm0 =	vge.f32 v30, v55;
	vm4 =	vge.f32 v25, v55;
	vm3 =	vmor vm1, vm3  }
0x8a: {  	v29 =	vld.idx.msk [tilespmem:v1+s6+$0x100], $0xffff;
	vm1 =	vmand vm1, vm5;
	[tilespmem:$0x1FEC0] =	vst v31;
	v31 =	vsel vm2, v48, v36;
	vm2 =	vge.f32 v50, v51  }
0x8b: {  	vm10 =	vge.f32 v57, v32;
	vm13 =	vmand vm0, vm4;
	v22 =	vsel vm2, $0xFFFFFFFF, v22  }
0x8c: {  	v25 =	vsel vm2, v50, v51;
	v27 =	vsel vm2, v51, v50;
	vm2 =	vge.f32 v30, v24  }
0x8d: {  	v58 =	vld.idx.msk [tilespmem:v2+s6+$0x100], $0xffff;
	vm9 =	vge.f32 v57, v31;
	vm12 =	vge.f32 v23, v31;
	v31 =	vimm.s32 $0x0  }
0x8e: {  	v59 =	vld.idx.msk [tilespmem:v0+s6+$0x140], $0xffff;
	[tilespmem:v0+s19+$0x80C0] =	vst.idx.msk $0xffff, v21;
	v24 =	vimm.s32 $0x0;
	v30 =	vimm.s32 $0x0;
	v31 =	vsel vm3, $0xFFFFFFFF, v31  }
0x8f: {  	[tilespmem:$0x1FED0] =	vst v22;
	v22 =	vld.idx.msk [tilespmem:v3+s6+$0x100], $0xffff;
	vm14 =	vmor vm0, vm2;
	vm6 =	vge.f32 v28, v26;
	vm7 =	vge.f32 v39, v29  }
0x90: {  	[tilespmem:v1+s19+$0x80C0] =	vst.idx.msk $0xffff, v20;
	v24 =	vsel vm6, $0xFFFFFFFF, v24;
	v23 =	vsel vm6, v28, v26;
	v26 =	vsel vm6, v26, v28  }
0x91: {  	[tilespmem:v2+s19+$0x80C0] =	vst.idx.msk $0xffff, v15;
	v28 =	vld.idx.msk [tilespmem:v2+s6+$0x140], $0xffff;
	vm6 =	vge.f32 v25, v23;
	vm8 =	vge.f32 v27, v23;
	v23 =	vimm.s32 $0x0  }
0x92: {  	vm15 =	vmor vm9, vm10;
	v30 =	vsel vm7, $0xFFFFFFFF, v30;
	[tilespmem:$0x1FEE0] =	vst v24;
	v24 =	vld.idx.msk [tilespmem:v1+s6+$0x140], $0xffff;
	v23 =	vsel vm8, $0xFFFFFFFF, v23  }
0x93: {  	v27 =	vsel vm7, v29, v39;
	[tilespmem:$0x1FE30] =	vst v23;
	v23 =	vsel vm7, v39, v29;
	vm7 =	vge.f32 v25, v26  }
0x94: {  	[tilespmem:$0x1FEF0] =	vst v30;
	v30 =	vld.idx.msk [tilespmem:v3+s6+$0x140], $0xffff;
	vm3 =	vge.f32 v58, v22;
	v25 =	vimm.s32 $0x0;
	v26 =	vimm.s32 $0x0  }
0x95: {  	[tilespmem:v3+s19+$0x80C0] =	vst.idx.msk $0xffff, v13;
	vm4 =	vmand vm9, vm12;
	v29 =	vld.idx.msk [tilespmem:v0+s6+$0x180], $0xffff;
	v25 =	vsel vm3, $0xFFFFFFFF, v25;
	v26 =	vsel vm1, $0xFFFFFFFF, v26  }
0x96: {  	vm12 =	vmor vm6, vm7;
	v15 =	vld [tilespmem:$0x1FE30];
	[tilespmem:$0x1FE60] =	vst v26;
	v26 =	vsel vm3, v58, v22;
	v22 =	vsel vm3, v22, v58  }
0x97: {  	[tilespmem:$0x1FF00] =	vst v25;
	v25 =	vld.idx.msk [tilespmem:v1+s6+$0x180], $0xffff;
	vm8 =	vge.f32 v23, v26;
	vm1 =	vge.f32 v27, v26;
	v26 =	vimm.s32 $0x0  }
0x98: {  	[tilespmem:$0x1FE50] =	vst v31;
	vm5 =	vge.f32 v23, v22;
	v26 =	vsel vm1, $0xFFFFFFFF, v26;
	vm1 =	vge.f32 v59, v24  }
0x99: {  	v31 =	vld.idx.msk [tilespmem:v2+s6+$0x180], $0xffff;
	vm9 =	vmor vm8, vm5;
	[tilespmem:$0x1FE40] =	vst v26;
	v26 =	vimm.s32 $0x0;
	v22 =	vsel vm1, v59, v24  }
0x9a: {  	[tilespmem:v0+s19+$0x8100] =	vst.idx.msk $0xffff, v12;
	v12 =	vld [tilespmem:$0x1FE60];
	v23 =	vsel vm1, v24, v59;
	v26 =	vsel vm1, $0xFFFFFFFF, v26;
	vm1 =	vge.f32 v28, v30  }
0x9b: {  	vm2 =	vnez.u8 v15;
	[tilespmem:$0x1FF10] =	vst v26;
	v26 =	vld.idx.msk [tilespmem:v3+s6+$0x180], $0xffff;
	v21 =	vsel vm1, v28, v30;
	v24 =	vsel vm1, v30, v28  }
0x9c: {  	[tilespmem:v1+s19+$0x8100] =	vst.idx.msk $0xffff, v11;
	v13 =	vld [tilespmem:$0x1FE40];
	vm0 =	vge.f32 v29, v25;
	vm7 =	vmand vm6, vm2;
	vm3 =	vge.f32 v22, v21  }
0x9d: {  	[tilespmem:v0+s19+$0x8180] =	vst.idx.msk $0xffff, v18;
	vm10 =	vge.f32 v23, v21;
	vm11 =	vge.f32 v22, v24;
	v21 =	vimm.s32 $0x0  }
0x9e: {  	v20 =	vsel vm0, v29, v25;
	v22 =	vimm.s32 $0x0;
	[tilespmem:v1+s19+$0x8180] =	vst.idx.msk $0xffff, v17;
	v21 =	vsel vm0, $0xFFFFFFFF, v21  }
0x9f: {  	v11 =	vld [tilespmem:$0x1FE50];
	vm11 =	vmor vm3, vm11;
	vm10 =	vmand vm3, vm10;
	vm3 =	vnez.u8 v12;
	[tilespmem:v2+s19+$0x8180] =	vst.idx.msk $0xffff, v16  }
0xa0: {  	v16 =	vld [tilespmem:$0x1FE70];
	[tilespmem:$0x1FF20] =	vst v21;
	v21 =	vsel vm0, v25, v29;
	v12 =	vsel vm3, $0x3F800000, v4;
	vm0 =	vge.f32 v31, v26  }
0xa1: {  	vm5 =	vnez.u8 v13;
	v15 =	vsel vm0, v31, v26;
	v22 =	vsel vm0, $0xFFFFFFFF, v22  }
0xa2: {  	[tilespmem:$0x1FF30] =	vst v22;
	v22 =	vsel vm0, v26, v31;
	vm0 =	vge.f32 v20, v15;
	vm6 =	vge.f32 v21, v15  }
0xa3: {  	vm5 =	vmand vm8, vm5;
	vm2 =	vge.f32 v20, v22;
	vm8 =	vmand vm0, vm6  }
0xa4: {  	[tilespmem:$0x1FE80] =	vst v37;
	vm2 =	vmor vm0, vm2;
	vm0 =	vmmov vm1;
	vm1 =	vnez.u8 v11  }
0xa5: {  	[tilespmem:v2+s19+$0x8100] =	vst.idx.msk $0xffff, v10;
	v11 =	vsel vm1, $0x3F800000, v4;
	v10 =	vsel vm1, $0x0, v5;
	vm1 =	vnez.u8 v16  }
0xa6: {  	v16 =	vsel vm1, v11, v12;
	v30 =	vsel vm1, v12, v11;
	v11 =	vld [tilespmem:$0x1FE80];
	_ =	sdelay $0x4  }
0xa7: {  	v13 =	vsel vm3, $0x0, v5;
	vm1 =	vnez.u8 v11  }
0xa8: {  	[tilespmem:$0x1FEB0] =	vst v33;
	v33 =	vsel vm1, v13, v10;
	v32 =	vsel vm1, v10, v13;
	v10 =	vld [tilespmem:$0x1FE90];
	_ =	sdelay $0x3  }
0xa9: {  	[tilespmem:$0x1FEA0] =	vst v38  }
0xaa: {  	vm1 =	vnez.u8 v10;
	v10 =	vld [tilespmem:$0x1FEA0];
	_ =	sdelay $0x2  }
0xab: {  	[tilespmem:v3+s19+$0x8100] =	vst.idx.msk $0xffff, v7;
	v7 =	vsel vm13, $0x0, v5  }
0xac: {  	v15 =	vsel vm14, $0x3F800000, v4;
	v21 =	vsel vm14, $0x0, v5;
	v20 =	vsel vm13, $0x3F800000, v4  }
0xad: {  	v31 =	vsel vm1, v15, v20;
	v28 =	vsel vm1, v20, v15;
	vm1 =	vnez.u8 v10  }
0xae: {  	v27 =	vsel vm1, v7, v21;
	v26 =	vsel vm1, v21, v7;
	v7 =	vld [tilespmem:$0x1FEB0];
	_ =	sdelay $0x4  }
0xaf: {  	vm1 =	vnez.u8 v7;
	v7 =	vld [tilespmem:$0x1FEC0];
	_ =	sdelay $0x3  }
0xb0: {  	[tilespmem:v0+s19+$0x8140] =	vst.idx.msk $0xffff, v9;
	v9 =	vsel vm4, $0x3F800000, v4;
	v22 =	vsel vm15, $0x3F800000, v4  }
0xb1: {  	v25 =	vsel vm1, v22, v9;
	v24 =	vsel vm1, v9, v22;
	vm1 =	vnez.u8 v7;
	v7 =	vld [tilespmem:$0x1FED0];
	_ =	sdelay $0x2  }
0xb2: {  	v60 =	vsel vm4, $0x0, v5  }
0xb3: {  	v61 =	vsel vm15, $0x0, v5;
	[tilespmem:v1+s19+$0x8140] =	vst.idx.msk $0xffff, v6;
	v6 =	vsel vm12, $0x3F800000, v4;
	v62 =	vsel vm7, $0x3F800000, v4  }
0xb4: {  	v23 =	vsel vm1, v60, v61;
	v22 =	vsel vm1, v61, v60;
	vm1 =	vnez.u8 v7  }
0xb5: {  	v21 =	vsel vm1, v6, v62;
	v20 =	vsel vm1, v62, v6;
	v6 =	vld [tilespmem:$0x1FEE0];
	_ =	sdelay $0x4  }
0xb6: {  	vm1 =	vnez.u8 v6;
	v6 =	vld [tilespmem:$0x1FEF0];
	_ =	sdelay $0x3  }
0xb7: {  	[tilespmem:v2+s19+$0x8140] =	vst.idx.msk $0xffff, v8;
	v8 =	vsel vm12, $0x0, v5;
	v63 =	vsel vm7, $0x0, v5  }
0xb8: {  	v15 =	vsel vm1, v63, v8;
	v13 =	vsel vm1, v8, v63;
	vm1 =	vnez.u8 v6;
	v6 =	vld [tilespmem:$0x1FF00];
	_ =	sdelay $0x3  }
0xb9: {  	v40 =	vsel vm9, $0x3F800000, v4;
	v41 =	vsel vm5, $0x3F800000, v4  }
0xba: {  	s11 =	sadd.s32 $0x8, s11;
	v12 =	vsel vm1, v40, v41;
	v11 =	vsel vm1, v41, v40;
	vm1 =	vnez.u8 v6;
	v6 =	vld [tilespmem:$0x1FF10]  }
0xbb: {  	p1 =	slt.u32 s11, $0x78;
	v43 =	vsel vm9, $0x0, v5  }
.Ltmp0:
0xbc: {  	v44 =	vsel vm11, $0x3F800000, v4;
	v45 =	vsel vm10, $0x3F800000, v4;
	v18 =	vsel vm10, $0x0, v5;
	(pc) =	sbr.rel @p1 .LBB2_3-.Ltmp0, $4  }
0xbd: {  	[tilespmem:v3+s19+$0x8140] =	vst.idx.msk $0xffff, v19;
	v19 =	vsel vm11, $0x0, v5;
	v42 =	vsel vm5, $0x0, v5;
	v17 =	vsel vm8, $0x3F800000, v4  }
0xbe: {  	v29 =	vsel vm8, $0x0, v5;
	v35 =	vsel vm2, $0x3F800000, v4;
	v34 =	vsel vm2, $0x0, v5  }
0xbf: {  	[tilespmem:v3+s19+$0x8180] =	vst.idx.msk $0xffff, v14;
	v10 =	vsel vm1, v42, v43;
	v7 =	vsel vm1, v43, v42;
	vm1 =	vnez.u8 v6  }
0xc0: {  	s14 =	sadd.s32 $0x800, s14;
	s19 =	smov.u32 s6;
	v8 =	vsel vm0, v18, v19;
	v9 =	vsel vm1, v44, v45;
	v6 =	vsel vm1, v45, v44  }
0xc1: {  	_ =	sdelay $0x3  }
0xc2: {  	[tilespmem:v0+s19+$0x8000] =	vst.idx.msk $0xffff, v16  }
0xc3: {  	[tilespmem:v0+s19+$0x8040] =	vst.idx.msk $0xffff, v31  }
0xc4: {  	[tilespmem:v0+s19+$0x8080] =	vst.idx.msk $0xffff, v25  }
0xc5: {  	[tilespmem:v0+s19+$0x80C0] =	vst.idx.msk $0xffff, v21  }
0xc6: {  	[tilespmem:v0+s19+$0x8100] =	vst.idx.msk $0xffff, v12  }
0xc7: {  	[tilespmem:v0+s19+$0x8140] =	vst.idx.msk $0xffff, v9  }
0xc8: {  	[tilespmem:v1+s19+$0x8000] =	vst.idx.msk $0xffff, v30  }
0xc9: {  	[tilespmem:v1+s19+$0x8040] =	vst.idx.msk $0xffff, v28  }
0xca: {  	[tilespmem:v1+s19+$0x8080] =	vst.idx.msk $0xffff, v24  }
0xcb: {  	[tilespmem:v1+s19+$0x80C0] =	vst.idx.msk $0xffff, v20  }
0xcc: {  	[tilespmem:v1+s19+$0x8100] =	vst.idx.msk $0xffff, v11  }
0xcd: {  	[tilespmem:v1+s19+$0x8140] =	vst.idx.msk $0xffff, v6  }
0xce: {  	[tilespmem:v2+s19+$0x8000] =	vst.idx.msk $0xffff, v33  }
0xcf: {  	[tilespmem:v2+s19+$0x8040] =	vst.idx.msk $0xffff, v27  }
0xd0: {  	[tilespmem:v2+s19+$0x8080] =	vst.idx.msk $0xffff, v23  }
0xd1: {  	[tilespmem:v2+s19+$0x80C0] =	vst.idx.msk $0xffff, v15  }
0xd2: {  	[tilespmem:v2+s19+$0x8100] =	vst.idx.msk $0xffff, v10  }
0xd3: {  	[tilespmem:v2+s19+$0x8140] =	vst.idx.msk $0xffff, v8  }
0xd4: {  	[tilespmem:v3+s19+$0x8000] =	vst.idx.msk $0xffff, v32  }
0xd5: {  	[tilespmem:v3+s19+$0x8040] =	vst.idx.msk $0xffff, v26  }
0xd6: {  	[tilespmem:v3+s19+$0x8080] =	vst.idx.msk $0xffff, v22  }
0xd7: {  	[tilespmem:v3+s19+$0x80C0] =	vst.idx.msk $0xffff, v13  }
0xd8: {  	[tilespmem:v3+s19+$0x8100] =	vst.idx.msk $0xffff, v7  }
0xd9: {  	v7 =	vld [tilespmem:$0x1FF20];
	_ =	sdelay $0x4  }
0xda: {  	v6 =	vsel vm0, v19, v18;
	vm14 =	vnez.u8 v7  }
0xdb: {  	[tilespmem:v3+s19+$0x8140] =	vst.idx.msk $0xffff, v6;
	v7 =	vsel vm14, v35, v17  }
0xdc: {  	[tilespmem:v0+s19+$0x8180] =	vst.idx.msk $0xffff, v7  }
0xdd: {  	v7 =	vld [tilespmem:$0x1FF30];
	_ =	sdelay $0x3  }
0xde: {  	p1 =	sne.s32 s9, $0x3F  }
.Ltmp1:
0xdf: {  	v6 =	vsel vm14, v17, v35;
	vm15 =	vnez.u8 v7;
	(pc) =	sbr.rel @p1 .LBB2_6-.Ltmp1, $4  }
0xe0: {  	[tilespmem:v1+s19+$0x8180] =	vst.idx.msk $0xffff, v6;
	v7 =	vsel vm15, v29, v34  }
0xe1: {  	s10 =	sshrl.u32 s10, $0x3;
	v6 =	vsel vm15, v34, v29;
	[tilespmem:v2+s19+$0x8180] =	vst.idx.msk $0xffff, v7  }
0xe2: {  	s0 =	sadd.s32 s3, s10;
	[tilespmem:v3+s19+$0x8180] =	vst.idx.msk $0xffff, v6;
	s19 =	sadd.s32 $0x1, s9  }
0xe3: {  	[hbm4b:s0+s15] =	stream.strided.scatter [tilespmem:s21], [sflag:$0x5], $0x2000, s16, s15, $0x38;
	[tilespmem:$0x10000] =	vst v63  }
.Ltmp2:
0xe4: {  	(pc) =	sbr.rel .LBB2_7-.Ltmp2, $4  }
0xe5: {  	_ = 	snop  }
0xe6: {  	_ =	swait.ge [sflag:s22], $0x2000  }
0xe7: {  	[sflag:s22] =	ssyncset.done $0x0  }
0xe8: {  	[sflag:s22] =	ssyncadd.s32 $0xFFFFE000  }
.LBB2_6:
0xe9: {  	s0 =	sshll.u32 s19, $0xC;
	s6 =	sshll.u32 s19, $0x5  }
0xea: {  	s0 =	sadd.s32 s5, s0;
	s6 =	sand.u32 $0x60, s6  }
0xeb: {  	s0 =	sand.u32 $0xFFC000, s0;
	s6 =	sadd.s32 s1, s6  }
.Ltmp3:
0xec: {  	s0 =	sadd.s32 s0, s6;
	(pc) =	sbr.rel @p0 .LBB2_8-.Ltmp3, $4  }
0xed: {  	[tilespmem:s4], [sflag:$0x1] =	stream.strided.gather [hbm4b:s0+s15], $0x2000, s16, s15, $0x38;
	[tilespmem:$0x10000] =	vst v63  }
0xee: {  	_ =	swait.ge [sflag:s22], $0x2000  }
0xef: {  	[sflag:s22] =	ssyncset.done $0x0  }
0xf0: {  	[sflag:s22] =	ssyncadd.s32 $0xFFFFE000  }
.LBB2_7:
0xf1: {  	_ =	swait.ge [sflag:s23], $0x2000  }
0xf2: {  	[sflag:s23] =	ssyncset.done $0x0  }
0xf3: {  	[sflag:s23] =	ssyncadd.s32 $0xFFFFE000  }
.LBB2_8:
0xf4: {  	_ =	sdelay $0x2  }
0xf5: {  	s11 =	simm.s32 $0x0  }
0xf6: {  	v6 =	vld.idx.msk [tilespmem:v0+s11+$0x21C0], $0xffff  }
0xf7: {  	v7 =	vld.idx.msk [tilespmem:v1+s11+$0x21C0], $0xffff  }
0xf8: {  	v8 =	vld.idx.msk [tilespmem:v2+s11+$0x21C0], $0xffff  }
0xf9: {  	v9 =	vld.idx.msk [tilespmem:v3+s11+$0x21C0], $0xffff  }
0xfa: {  	v10 =	vld.idx.msk [tilespmem:v0+s11+$0x2000], $0xffff  }
0xfb: {  	v11 =	vld.idx.msk [tilespmem:v1+s11+$0x2000], $0xffff  }
0xfc: {  	v12 =	vld.idx.msk [tilespmem:v2+s11+$0x2000], $0xffff  }
0xfd: {  	v14 =	vld.idx.msk [tilespmem:v3+s11+$0x2000], $0xffff  }
0xfe: {  	v26 =	vimm.s32 $0x0;
	v15 =	vld.idx.msk [tilespmem:v0+s11+$0x2040], $0xffff;
	vm0 =	vge.f32 v6, v7;
	vm1 =	vge.f32 v8, v9  }
0xff: {  	v16 =	vld.idx.msk [tilespmem:v1+s11+$0x2040], $0xffff;
	v13 =	vsel vm0, v6, v7;
	v6 =	vsel vm0, v7, v6;
	v7 =	vsel vm1, v8, v9  }
0x100: {  	v17 =	vld.idx.msk [tilespmem:v2+s11+$0x2040], $0xffff;
	vm5 =	vge.f32 v10, v11;
	vm3 =	vge.f32 v6, v7;
	v6 =	vimm.s32 $0x0  }
0x101: {  	v18 =	vld.idx.msk [tilespmem:v3+s11+$0x2040], $0xffff;
	v8 =	vsel vm1, v9, v8;
	v20 =	vsel vm5, v10, v11;
	v6 =	vsel vm5, $0xFFFFFFFF, v6  }
0x102: {  	v10 =	vsel vm5, v11, v10;
	vm2 =	vge.f32 v13, v7;
	vm4 =	vge.f32 v13, v8;
	[tilespmem:$0x1FDC0] =	vst v6  }
0x103: {  	vm4 =	vmor vm2, vm4;
	vm2 =	vmand vm2, vm3;
	vm3 =	vge.f32 v12, v14;
	v8 =	vld.idx.msk [tilespmem:v0+s11+$0x2080], $0xffff  }
0x104: {  	v7 =	vsel vm4, $0x3F800000, v4;
	v9 =	vsel vm2, $0x3F800000, v4;
	v22 =	vsel vm2, $0x0, v5;
	v19 =	vld.idx.msk [tilespmem:v1+s11+$0x2080], $0xffff  }
0x105: {  	v23 =	vsel vm4, $0x0, v5;
	v11 =	vld.idx.msk [tilespmem:v2+s11+$0x2080], $0xffff;
	v6 =	vsel vm0, v7, v9;
	v9 =	vsel vm0, v9, v7  }
0x106: {  	v21 =	vld.idx.msk [tilespmem:v3+s11+$0x2080], $0xffff;
	v13 =	vsel vm1, v22, v23;
	v7 =	vsel vm1, v23, v22;
	v22 =	vimm.s32 $0x0  }
0x107: {  	vm0 =	vge.f32 v15, v16;
	v24 =	vld.idx.msk [tilespmem:v0+s11+$0x20C0], $0xffff;
	v23 =	vimm.s32 $0x0;
	v22 =	vsel vm3, $0xFFFFFFFF, v22  }
0x108: {  	vm2 =	vge.f32 v17, v18;
	v25 =	vld.idx.msk [tilespmem:v1+s11+$0x20C0], $0xffff;
	v23 =	vsel vm0, $0xFFFFFFFF, v23;
	[tilespmem:$0x1FDD0] =	vst v22;
	v22 =	vsel vm3, v12, v14  }
0x109: {  	v26 =	vsel vm2, $0xFFFFFFFF, v26;
	v12 =	vsel vm3, v14, v12;
	v14 =	vld.idx.msk [tilespmem:v2+s11+$0x20C0], $0xffff;
	[tilespmem:$0x1FDE0] =	vst v23;
	v23 =	vsel vm0, v15, v16  }
0x10a: {  	v15 =	vsel vm0, v16, v15;
	v16 =	vld.idx.msk [tilespmem:v3+s11+$0x20C0], $0xffff;
	[tilespmem:$0x1FDF0] =	vst v26;
	v26 =	vsel vm2, v17, v18  }
0x10b: {  	v17 =	vsel vm2, v18, v17;
	v18 =	vimm.s32 $0x0;
	vm1 =	vge.f32 v8, v19  }
0x10c: {  	v18 =	vsel vm1, $0xFFFFFFFF, v18  }
0x10d: {  	vm2 =	vge.f32 v10, v22;
	v10 =	vimm.s32 $0x0;
	vm3 =	vge.f32 v11, v21;
	[tilespmem:$0x1FE00] =	vst v18  }
0x10e: {  	vm0 =	vge.f32 v20, v22;
	v10 =	vsel vm3, $0xFFFFFFFF, v10;
	v18 =	vsel vm1, v8, v19;
	v27 =	vld.idx.msk [tilespmem:v0+s11+$0x2100], $0xffff  }
0x10f: {  	v8 =	vsel vm1, v19, v8;
	v19 =	vld.idx.msk [tilespmem:v1+s11+$0x2100], $0xffff;
	[tilespmem:$0x1FE10] =	vst v10;
	v10 =	vsel vm3, v11, v21  }
0x110: {  	v11 =	vsel vm3, v21, v11;
	vm3 =	vge.f32 v20, v12;
	v21 =	vld.idx.msk [tilespmem:v2+s11+$0x2100], $0xffff;
	vm9 =	vge.f32 v18, v10  }
0x111: {  	v12 =	vld.idx.msk [tilespmem:v3+s11+$0x2100], $0xffff;
	vm8 =	vge.f32 v14, v16;
	vm10 =	vge.f32 v8, v10;
	vm1 =	vmor vm0, vm3  }
0x112: {  	v22 =	vld.idx.msk [tilespmem:v0+s11+$0x2140], $0xffff;
	v8 =	vsel vm8, v14, v16;
	v10 =	vsel vm8, v16, v14;
	v16 =	vimm.s32 $0x0  }
0x113: {  	vm4 =	vge.f32 v23, v26;
	vm7 =	vge.f32 v23, v17;
	v17 =	vld.idx.msk [tilespmem:v1+s11+$0x2140], $0xffff;
	v16 =	vsel vm1, $0xFFFFFFFF, v16  }
0x114: {  	vm0 =	vmand vm0, vm2;
	v14 =	vld.idx.msk [tilespmem:v2+s11+$0x2140], $0xffff;
	vm1 =	vmor vm4, vm7;
	[tilespmem:$0x1FD70] =	vst v16;
	v16 =	vimm.s32 $0x0  }
0x115: {  	v16 =	vsel vm0, $0xFFFFFFFF, v16;
	vm0 =	vge.f32 v18, v11;
	v11 =	vimm.s32 $0x0  }
0x116: {  	vm14 =	vge.f32 v24, v25;
	vm15 =	vge.f32 v15, v26;
	v11 =	vsel vm1, $0xFFFFFFFF, v11  }
0x117: {  	v15 =	vsel vm14, v24, v25;
	vm1 =	vmand vm4, vm15;
	[tilespmem:$0x1FD90] =	vst v11;
	v11 =	vimm.s32 $0x0  }
0x118: {  	v18 =	vimm.s32 $0x0;
	[tilespmem:$0x1FD60] =	vst v16;
	vm0 =	vmor vm9, vm0;
	v11 =	vsel vm1, $0xFFFFFFFF, v11  }
0x119: {  	vm2 =	vge.f32 v15, v8;
	v18 =	vsel vm0, $0xFFFFFFFF, v18;
	vm0 =	vge.f32 v15, v10;
	[tilespmem:$0x1FD80] =	vst v11  }
0x11a: {  	v20 =	vsel vm14, v25, v24;
	v15 =	vimm.s32 $0x0;
	vm0 =	vmor vm2, vm0;
	v11 =	vld.idx.msk [tilespmem:v3+s11+$0x2140], $0xffff  }
0x11b: {  	vm11 =	vge.f32 v27, v19;
	vm12 =	vge.f32 v21, v12;
	v15 =	vsel vm0, $0xFFFFFFFF, v15;
	v16 =	vld.idx.msk [tilespmem:v0+s11+$0x2180], $0xffff;
	[tilespmem:$0x1FDA0] =	vst v18  }
0x11c: {  	vm13 =	vge.f32 v22, v17;
	vm0 =	vge.f32 v20, v8;
	v10 =	vld.idx.msk [tilespmem:v1+s11+$0x2180], $0xffff;
	[tilespmem:$0x1FDB0] =	vst v15  }
0x11d: {  	v8 =	vsel vm11, v27, v19;
	v18 =	vsel vm11, v19, v27;
	v19 =	vsel vm12, v21, v12;
	v15 =	vld.idx.msk [tilespmem:v2+s11+$0x2180], $0xffff  }
0x11e: {  	vm7 =	vmand vm2, vm0;
	v12 =	vsel vm12, v12, v21;
	vm2 =	vge.f32 v8, v19;
	v20 =	vld.idx.msk [tilespmem:v3+s11+$0x2180], $0xffff  }
0x11f: {  	vm3 =	vge.f32 v18, v19;
	vm0 =	vge.f32 v8, v12;
	v8 =	vsel vm13, v22, v17  }
0x120: {  	v12 =	vsel vm13, v17, v22;
	v18 =	vimm.s32 $0x0;
	vm6 =	vmor vm2, vm0  }
0x121: {  	vm4 =	vmand vm2, vm3;
	vm0 =	vge.f32 v14, v11;
	vm1 =	vge.f32 v16, v10  }
0x122: {  	v17 =	vsel vm0, v14, v11;
	v11 =	vsel vm0, v11, v14;
	v14 =	vsel vm1, v16, v10  }
0x123: {  	v18 =	vsel vm1, $0xFFFFFFFF, v18;
	v10 =	vsel vm1, v10, v16;
	vm1 =	vge.f32 v15, v20  }
0x124: {  	vm5 =	vge.f32 v8, v17;
	vm3 =	vge.f32 v8, v11;
	v8 =	vimm.s32 $0x0  }
0x125: {  	v8 =	vsel vm1, $0xFFFFFFFF, v8  }
0x126: {  	v16 =	vsel vm1, v15, v20;
	[tilespmem:$0x1FD50] =	vst v8;
	v8 =	vsel vm1, v20, v15  }
0x127: {  	vm15 =	vmand vm9, vm10;
	vm10 =	vge.f32 v14, v16;
	vm1 =	vge.f32 v14, v8  }
0x128: {  	v8 =	vimm.s32 $0x0;
	vm1 =	vmor vm10, vm1  }
0x129: {  	v8 =	vsel vm1, $0xFFFFFFFF, v8  }
0x12a: {  	[tilespmem:$0x1FE20] =	vst v8;
	v8 =	vld [tilespmem:$0x1FD60]  }
0x12b: {  	v11 =	vld [tilespmem:$0x1FD70]  }
0x12c: {  	v14 =	vld [tilespmem:$0x1FD80];
	_ =	sdelay $0x2  }
0x12d: {  	vm9 =	vge.f32 v12, v17;
	vm2 =	vge.f32 v10, v16;
	vm1 =	vnez.u8 v8  }
0x12e: {  	v8 =	vsel vm1, $0x3F800000, v4;
	v10 =	vsel vm1, $0x0, v5;
	vm1 =	vnez.u8 v11  }
0x12f: {  	v11 =	vsel vm1, $0x3F800000, v4;
	v12 =	vsel vm1, $0x0, v5;
	vm1 =	vnez.u8 v14;
	v14 =	vld [tilespmem:$0x1FD90];
	_ =	sdelay $0x4  }
0x130: {  	v15 =	vsel vm1, $0x3F800000, v4;
	v16 =	vsel vm1, $0x0, v5;
	vm1 =	vnez.u8 v14;
	v14 =	vld [tilespmem:$0x1FDA0];
	_ =	sdelay $0x4  }
0x131: {  	[tilespmem:$0x1FD40] =	vst v18;
	v18 =	vsel vm1, $0x3F800000, v4;
	v19 =	vsel vm1, $0x0, v5;
	vm1 =	vnez.u8 v14;
	v14 =	vld [tilespmem:$0x1FDB0];
	_ =	sdelay $0x4  }
0x132: {  	v22 =	vsel vm1, $0x3F800000, v4;
	v28 =	vsel vm1, $0x0, v5;
	vm1 =	vnez.u8 v14;
	v14 =	vld [tilespmem:$0x1FDC0];
	_ =	sdelay $0x4  }
0x133: {  	v36 =	vsel vm1, $0x3F800000, v4;
	v37 =	vsel vm1, $0x0, v5;
	vm1 =	vnez.u8 v14  }
0x134: {  	v14 =	vsel vm1, v11, v8;
	v30 =	vsel vm1, v8, v11;
	v8 =	vld [tilespmem:$0x1FDD0];
	_ =	sdelay $0x4  }
0x135: {  	vm1 =	vnez.u8 v8;
	v8 =	vld [tilespmem:$0x1FDE0];
	_ =	sdelay $0x4  }
0x136: {  	v33 =	vsel vm1, v10, v12;
	v32 =	vsel vm1, v12, v10;
	vm1 =	vnez.u8 v8;
	v8 =	vld [tilespmem:$0x1FDF0];
	_ =	sdelay $0x4  }
0x137: {  	v31 =	vsel vm1, v18, v15;
	v29 =	vsel vm1, v15, v18;
	vm1 =	vnez.u8 v8;
	v8 =	vld [tilespmem:$0x1FE00];
	_ =	sdelay $0x1  }
0x138: {  	v21 =	vsel vm15, $0x0, v5;
	v34 =	vsel vm7, $0x3F800000, v4;
	v35 =	vsel vm7, $0x0, v5  }
0x139: {  	v38 =	vsel vm4, $0x3F800000, v4;
	v39 =	vsel vm4, $0x0, v5;
	v40 =	vsel vm6, $0x3F800000, v4  }
0x13a: {  	v41 =	vsel vm6, $0x0, v5;
	vm3 =	vmor vm5, vm3;
	vm9 =	vmand vm5, vm9  }
0x13b: {  	v27 =	vsel vm1, v16, v19;
	v26 =	vsel vm1, v19, v16;
	vm1 =	vnez.u8 v8;
	v8 =	vld [tilespmem:$0x1FE10];
	[tilespmem:v0+s11+$0xA1C0] =	vst.idx.msk $0xffff, v6  }
0x13c: {  	v20 =	vsel vm15, $0x3F800000, v4;
	v42 =	vsel vm9, $0x3F800000, v4;
	v17 =	vsel vm9, $0x0, v5;
	[tilespmem:v1+s11+$0xA1C0] =	vst.idx.msk $0xffff, v9  }
0x13d: {  	v63 =	vsel vm3, $0x3F800000, v4;
	vm10 =	vmand vm10, vm2;
	v11 =	vsel vm11, v38, v40;
	[tilespmem:v2+s11+$0xA1C0] =	vst.idx.msk $0xffff, v13  }
0x13e: {  	v12 =	vsel vm11, v40, v38;
	v10 =	vsel vm12, v39, v41;
	v18 =	vsel vm8, v35, v37;
	v13 =	vld [tilespmem:$0x1FE20]  }
0x13f: {  	v15 =	vsel vm10, $0x3F800000, v4;
	v16 =	vsel vm8, v37, v35;
	v19 =	vsel vm3, $0x0, v5  }
0x140: {  	v6 =	vsel vm13, v42, v63;
	v25 =	vsel vm1, v22, v20;
	v24 =	vsel vm1, v20, v22  }
0x141: {  	v20 =	vsel vm14, v34, v36;
	v9 =	vsel vm13, v63, v42;
	[tilespmem:v3+s11+$0xA1C0] =	vst.idx.msk $0xffff, v7;
	vm1 =	vnez.u8 v8  }
0x142: {  	v7 =	vsel vm0, v17, v19;
	v8 =	vsel vm12, v41, v39;
	v23 =	vsel vm1, v21, v28  }
0x143: {  	v22 =	vsel vm1, v28, v21;
	v21 =	vsel vm14, v36, v34;
	vm1 =	vnez.u8 v13  }
0x144: {  	s14 =	simm.s32 $0x0;
	s6 =	simm.s32 $0x800;
	v28 =	vsel vm10, $0x0, v5;
	v35 =	vsel vm1, $0x3F800000, v4;
	v34 =	vsel vm1, $0x0, v5  }
.LBB2_9:
0x145: {  	v13 =	vld [tilespmem:$0x1FD40];
	_ =	sdelay $0x4  }
0x146: {  	v19 =	vsel vm0, v19, v17;
	vm0 =	vnez.u8 v13;
	v13 =	vld [tilespmem:$0x1FD50]  }
0x147: {  	s0 =	sshra.s32 s6, $0x2;
	[tilespmem:v0+s11+$0xA000] =	vst.idx.msk $0xffff, v14  }
0x148: {  	v42 =	vld.idx.msk [tilespmem:v0+s0+$0x21C0], $0xffff;
	[tilespmem:v1+s11+$0xA000] =	vst.idx.msk $0xffff, v30  }
0x149: {  	v30 =	vld.idx.msk [tilespmem:v2+s0+$0x21C0], $0xffff;
	[tilespmem:v2+s11+$0xA000] =	vst.idx.msk $0xffff, v33  }
0x14a: {  	v43 =	vld.idx.msk [tilespmem:v3+s0+$0x21C0], $0xffff;
	[tilespmem:v3+s11+$0xA000] =	vst.idx.msk $0xffff, v32  }
0x14b: {  	v32 =	vld.idx.msk [tilespmem:v0+s0+$0x2000], $0xffff;
	v17 =	vsel vm0, v35, v15;
	v15 =	vsel vm0, v15, v35;
	vm0 =	vnez.u8 v13  }
0x14c: {  	[tilespmem:v0+s11+$0xA040] =	vst.idx.msk $0xffff, v31;
	v14 =	vsel vm0, v28, v34;
	v13 =	vsel vm0, v34, v28;
	v28 =	vld.idx.msk [tilespmem:v1+s0+$0x21C0], $0xffff  }
0x14d: {  	[tilespmem:v0+s11+$0xA080] =	vst.idx.msk $0xffff, v25;
	v31 =	vld.idx.msk [tilespmem:v1+s0+$0x2000], $0xffff  }
0x14e: {  	[tilespmem:v1+s11+$0xA040] =	vst.idx.msk $0xffff, v29  }
0x14f: {  	[tilespmem:v2+s11+$0xA040] =	vst.idx.msk $0xffff, v27;
	v29 =	vld.idx.msk [tilespmem:v2+s0+$0x2000], $0xffff  }
0x150: {  	[tilespmem:v3+s11+$0xA040] =	vst.idx.msk $0xffff, v26;
	v27 =	vld.idx.msk [tilespmem:v3+s0+$0x2000], $0xffff  }
0x151: {  	[tilespmem:v1+s11+$0xA080] =	vst.idx.msk $0xffff, v24;
	v24 =	vld.idx.msk [tilespmem:v2+s0+$0x2040], $0xffff;
	vm0 =	vge.f32 v30, v43;
	vm1 =	vge.f32 v42, v28  }
0x152: {  	v46 =	vld.idx.msk [tilespmem:v3+s0+$0x2040], $0xffff;
	vm5 =	vge.f32 v32, v31;
	v45 =	vsel vm0, v30, v43;
	v44 =	vsel vm1, v42, v28  }
0x153: {  	v30 =	vsel vm0, v43, v30;
	v28 =	vsel vm1, v28, v42;
	vm2 =	vge.f32 v44, v45  }
0x154: {  	v26 =	vld.idx.msk [tilespmem:v0+s0+$0x2040], $0xffff;
	vm3 =	vge.f32 v28, v45;
	vm4 =	vge.f32 v44, v30;
	v28 =	vimm.s32 $0x0  }
0x155: {  	v25 =	vld.idx.msk [tilespmem:v1+s0+$0x2040], $0xffff;
	v28 =	vsel vm5, $0xFFFFFFFF, v28;
	vm4 =	vmor vm2, vm4  }
0x156: {  	vm2 =	vmand vm2, vm3;
	vm3 =	vge.f32 v29, v27;
	[tilespmem:$0x1FC90] =	vst v28;
	v30 =	vsel vm4, $0x3F800000, v4  }
0x157: {  	v28 =	vld.idx.msk [tilespmem:v0+s0+$0x2080], $0xffff;
	[tilespmem:v2+s11+$0xA080] =	vst.idx.msk $0xffff, v23;
	v47 =	vsel vm2, $0x3F800000, v4;
	v37 =	vsel vm2, $0x0, v5;
	vm2 =	vge.f32 v24, v46  }
0x158: {  	v52 =	vimm.s32 $0x0;
	v53 =	vsel vm3, v29, v27;
	v27 =	vsel vm3, v27, v29;
	v23 =	vld.idx.msk [tilespmem:v1+s0+$0x2080], $0xffff;
	[tilespmem:v3+s11+$0xA080] =	vst.idx.msk $0xffff, v22  }
0x159: {  	v22 =	vsel vm5, v32, v31;
	v31 =	vsel vm5, v31, v32;
	v49 =	vsel vm1, v30, v47  }
0x15a: {  	v38 =	vsel vm4, $0x0, v5;
	v30 =	vsel vm1, v47, v30;
	vm1 =	vge.f32 v26, v25;
	[tilespmem:v0+s0+$0xA1C0] =	vst.idx.msk $0xffff, v49  }
0x15b: {  	v54 =	vimm.s32 $0x0;
	v55 =	vsel vm2, v24, v46;
	v48 =	vld.idx.msk [tilespmem:v2+s0+$0x2080], $0xffff;
	[tilespmem:v1+s0+$0xA1C0] =	vst.idx.msk $0xffff, v30;
	v30 =	vsel vm0, v37, v38  }
0x15c: {  	v56 =	vimm.s32 $0x0;
	v24 =	vsel vm2, v46, v24;
	v36 =	vld.idx.msk [tilespmem:v3+s0+$0x2080], $0xffff;
	[tilespmem:v2+s0+$0xA1C0] =	vst.idx.msk $0xffff, v30;
	v30 =	vsel vm0, v38, v37  }
0x15d: {  	vm4 =	vge.f32 v31, v53;
	v31 =	vimm.s32 $0x0;
	[tilespmem:v3+s0+$0xA1C0] =	vst.idx.msk $0xffff, v30;
	v30 =	vimm.s32 $0x0  }
0x15e: {  	vm5 =	vge.f32 v22, v27;
	v37 =	vsel vm3, $0xFFFFFFFF, v52;
	v30 =	vsel vm1, $0xFFFFFFFF, v30  }
0x15f: {  	v50 =	vld.idx.msk [tilespmem:v0+s0+$0x20C0], $0xffff;
	v38 =	vsel vm2, $0xFFFFFFFF, v54;
	vm0 =	vge.f32 v28, v23;
	[tilespmem:$0x1FCB0] =	vst v30;
	v30 =	vsel vm1, v26, v25  }
0x160: {  	v51 =	vld.idx.msk [tilespmem:v1+s0+$0x20C0], $0xffff;
	v25 =	vsel vm1, v25, v26;
	v33 =	vsel vm0, $0xFFFFFFFF, v56;
	v57 =	vsel vm0, v28, v23  }
0x161: {  	v39 =	vld.idx.msk [tilespmem:v0+s0+$0x2100], $0xffff;
	vm1 =	vge.f32 v22, v53;
	vm2 =	vge.f32 v48, v36;
	v23 =	vsel vm0, v23, v28  }
0x162: {  	v29 =	vld.idx.msk [tilespmem:v2+s0+$0x20C0], $0xffff;
	v22 =	vimm.s32 $0x0;
	v31 =	vsel vm2, $0xFFFFFFFF, v31;
	v32 =	vsel vm2, v36, v48  }
0x163: {  	v26 =	vld.idx.msk [tilespmem:v3+s0+$0x20C0], $0xffff;
	vm0 =	vge.f32 v30, v55;
	vm11 =	vge.f32 v25, v55;
	vm3 =	vge.f32 v30, v24  }
0x164: {  	v28 =	vld.idx.msk [tilespmem:v1+s0+$0x2100], $0xffff;
	v24 =	vimm.s32 $0x0;
	v30 =	vimm.s32 $0x0;
	vm5 =	vmor vm1, vm5  }
0x165: {  	vm1 =	vmand vm1, vm4;
	[tilespmem:$0x1FCE0] =	vst v31;
	v31 =	vsel vm2, v48, v36;
	vm2 =	vge.f32 v50, v51  }
0x166: {  	vm12 =	vge.f32 v57, v32;
	v22 =	vsel vm2, $0xFFFFFFFF, v22;
	v25 =	vsel vm2, v50, v51  }
0x167: {  	v58 =	vld.idx.msk [tilespmem:v2+s0+$0x2100], $0xffff;
	v27 =	vsel vm2, v51, v50;
	vm6 =	vge.f32 v23, v31;
	v23 =	vimm.s32 $0x0  }
0x168: {  	vm10 =	vge.f32 v57, v31;
	v31 =	vimm.s32 $0x0;
	[tilespmem:$0x1FCF0] =	vst v22;
	v22 =	vld.idx.msk [tilespmem:v3+s0+$0x2100], $0xffff;
	v23 =	vsel vm6, $0xFFFFFFFF, v23  }
0x169: {  	[tilespmem:v0+s11+$0xA0C0] =	vst.idx.msk $0xffff, v21;
	v31 =	vsel vm5, $0xFFFFFFFF, v31;
	vm2 =	vge.f32 v29, v26;
	vm14 =	vge.f32 v39, v28  }
0x16a: {  	v59 =	vld.idx.msk [tilespmem:v0+s0+$0x2140], $0xffff;
	[tilespmem:$0x1FC50] =	vst v23;
	v24 =	vsel vm2, $0xFFFFFFFF, v24;
	v23 =	vsel vm2, v29, v26;
	v26 =	vsel vm2, v26, v29  }
0x16b: {  	v30 =	vsel vm14, $0xFFFFFFFF, v30;
	[tilespmem:$0x1FD00] =	vst v24;
	v24 =	vld.idx.msk [tilespmem:v1+s0+$0x2140], $0xffff;
	vm2 =	vge.f32 v25, v23;
	vm9 =	vge.f32 v27, v23  }
0x16c: {  	[tilespmem:v1+s11+$0xA0C0] =	vst.idx.msk $0xffff, v20;
	v29 =	vld.idx.msk [tilespmem:v2+s0+$0x2140], $0xffff;
	v23 =	vsel vm14, v39, v28;
	vm5 =	vge.f32 v25, v26;
	v26 =	vimm.s32 $0x0  }
0x16d: {  	[tilespmem:$0x1FD10] =	vst v30;
	v30 =	vld.idx.msk [tilespmem:v3+s0+$0x2140], $0xffff;
	v25 =	vimm.s32 $0x0;
	v26 =	vsel vm1, $0xFFFFFFFF, v26;
	vm15 =	vge.f32 v58, v22  }
0x16e: {  	v27 =	vsel vm14, v28, v39;
	[tilespmem:$0x1FC80] =	vst v26;
	v25 =	vsel vm15, $0xFFFFFFFF, v25;
	v26 =	vsel vm15, v58, v22  }
0x16f: {  	[tilespmem:v2+s11+$0xA0C0] =	vst.idx.msk $0xffff, v18;
	vm8 =	vge.f32 v23, v26;
	vm1 =	vge.f32 v27, v26;
	v26 =	vimm.s32 $0x0  }
0x170: {  	v28 =	vld.idx.msk [tilespmem:v0+s0+$0x2180], $0xffff;
	v22 =	vsel vm15, v22, v58;
	[tilespmem:$0x1FD20] =	vst v25;
	v26 =	vsel vm1, $0xFFFFFFFF, v26;
	vm1 =	vge.f32 v59, v24  }
0x171: {  	v25 =	vld.idx.msk [tilespmem:v1+s0+$0x2180], $0xffff;
	vm6 =	vge.f32 v23, v22;
	[tilespmem:$0x1FC60] =	vst v26;
	v26 =	vimm.s32 $0x0;
	v22 =	vsel vm1, v59, v24  }
0x172: {  	[tilespmem:$0x1FC70] =	vst v31;
	v31 =	vld.idx.msk [tilespmem:v2+s0+$0x2180], $0xffff;
	v23 =	vsel vm1, v24, v59;
	v26 =	vsel vm1, $0xFFFFFFFF, v26;
	vm1 =	vge.f32 v29, v30  }
0x173: {  	vm13 =	vmand vm0, vm11;
	[tilespmem:v0+s11+$0xA100] =	vst.idx.msk $0xffff, v12;
	v12 =	vld [tilespmem:$0x1FC80];
	v21 =	vsel vm1, v29, v30;
	v24 =	vsel vm1, v30, v29  }
0x174: {  	[tilespmem:v3+s11+$0xA0C0] =	vst.idx.msk $0xffff, v16;
	vm14 =	vmor vm0, vm3;
	vm3 =	vge.f32 v22, v21;
	vm7 =	vge.f32 v22, v24;
	v22 =	vld [tilespmem:$0x1FC50]  }
0x175: {  	vm11 =	vmor vm2, vm5;
	vm9 =	vmand vm2, vm9;
	vm15 =	vmor vm10, vm12;
	[tilespmem:$0x1FD30] =	vst v26;
	v26 =	vld.idx.msk [tilespmem:v3+s0+$0x2180], $0xffff  }
0x176: {  	[tilespmem:v1+s11+$0xA100] =	vst.idx.msk $0xffff, v11;
	v16 =	vld [tilespmem:$0x1FC60];
	vm12 =	vge.f32 v23, v21;
	vm0 =	vge.f32 v28, v25;
	v21 =	vimm.s32 $0x0  }
0x177: {  	vm6 =	vmor vm8, vm6;
	[tilespmem:v0+s11+$0xA180] =	vst.idx.msk $0xffff, v17;
	v20 =	vsel vm0, v28, v25;
	v21 =	vsel vm0, $0xFFFFFFFF, v21  }
0x178: {  	[tilespmem:v1+s11+$0xA180] =	vst.idx.msk $0xffff, v15;
	vm7 =	vmor vm3, vm7;
	vm12 =	vmand vm3, vm12;
	vm3 =	vnez.u8 v12  }
0x179: {  	v11 =	vld [tilespmem:$0x1FC70];
	[tilespmem:$0x1FD40] =	vst v21;
	v21 =	vsel vm0, v25, v28;
	v12 =	vsel vm3, $0x3F800000, v4;
	vm0 =	vnez.u8 v22  }
0x17a: {  	[tilespmem:v2+s11+$0xA180] =	vst.idx.msk $0xffff, v14;
	v14 =	vld [tilespmem:$0x1FC90];
	v22 =	vimm.s32 $0x0;
	vm10 =	vmand vm10, vm0;
	vm0 =	vge.f32 v31, v26  }
0x17b: {  	vm5 =	vnez.u8 v16;
	v18 =	vsel vm0, v31, v26;
	v22 =	vsel vm0, $0xFFFFFFFF, v22  }
0x17c: {  	[tilespmem:$0x1FD50] =	vst v22;
	v22 =	vsel vm0, v26, v31;
	vm0 =	vge.f32 v20, v18;
	vm4 =	vge.f32 v21, v18  }
0x17d: {  	vm5 =	vmand vm8, vm5;
	vm2 =	vge.f32 v20, v22;
	vm8 =	vmand vm0, vm4  }
0x17e: {  	[tilespmem:$0x1FCA0] =	vst v37;
	vm2 =	vmor vm0, vm2;
	vm0 =	vmmov vm1;
	vm1 =	vnez.u8 v11  }
0x17f: {  	[tilespmem:v2+s11+$0xA100] =	vst.idx.msk $0xffff, v10;
	v11 =	vsel vm1, $0x3F800000, v4;
	v10 =	vsel vm1, $0x0, v5;
	vm1 =	vnez.u8 v14  }
0x180: {  	v14 =	vsel vm1, v11, v12;
	v30 =	vsel vm1, v12, v11;
	v11 =	vld [tilespmem:$0x1FCA0];
	_ =	sdelay $0x4  }
0x181: {  	v16 =	vsel vm3, $0x0, v5;
	vm1 =	vnez.u8 v11  }
0x182: {  	[tilespmem:$0x1FCD0] =	vst v33;
	v33 =	vsel vm1, v16, v10;
	v32 =	vsel vm1, v10, v16;
	v10 =	vld [tilespmem:$0x1FCB0];
	_ =	sdelay $0x3  }
0x183: {  	[tilespmem:$0x1FCC0] =	vst v38  }
0x184: {  	vm1 =	vnez.u8 v10;
	v10 =	vld [tilespmem:$0x1FCC0];
	_ =	sdelay $0x2  }
0x185: {  	[tilespmem:v3+s11+$0xA100] =	vst.idx.msk $0xffff, v8;
	v8 =	vsel vm13, $0x0, v5  }
0x186: {  	v18 =	vsel vm14, $0x3F800000, v4;
	v21 =	vsel vm14, $0x0, v5;
	v20 =	vsel vm13, $0x3F800000, v4  }
0x187: {  	v31 =	vsel vm1, v18, v20;
	v29 =	vsel vm1, v20, v18;
	vm1 =	vnez.u8 v10  }
0x188: {  	v27 =	vsel vm1, v8, v21;
	v26 =	vsel vm1, v21, v8;
	v8 =	vld [tilespmem:$0x1FCD0];
	_ =	sdelay $0x4  }
0x189: {  	vm1 =	vnez.u8 v8;
	v8 =	vld [tilespmem:$0x1FCE0];
	_ =	sdelay $0x3  }
0x18a: {  	[tilespmem:v0+s11+$0xA140] =	vst.idx.msk $0xffff, v9;
	v9 =	vsel vm10, $0x3F800000, v4;
	v22 =	vsel vm15, $0x3F800000, v4  }
0x18b: {  	v25 =	vsel vm1, v22, v9;
	v24 =	vsel vm1, v9, v22;
	vm1 =	vnez.u8 v8;
	v8 =	vld [tilespmem:$0x1FCF0];
	_ =	sdelay $0x2  }
0x18c: {  	[tilespmem:v1+s11+$0xA140] =	vst.idx.msk $0xffff, v6;
	v6 =	vsel vm11, $0x3F800000, v4  }
0x18d: {  	v62 =	vsel vm9, $0x3F800000, v4;
	v61 =	vsel vm15, $0x0, v5;
	v60 =	vsel vm10, $0x0, v5  }
0x18e: {  	v23 =	vsel vm1, v60, v61;
	v22 =	vsel vm1, v61, v60;
	vm1 =	vnez.u8 v8  }
0x18f: {  	v21 =	vsel vm1, v6, v62;
	v20 =	vsel vm1, v62, v6;
	v6 =	vld [tilespmem:$0x1FD00];
	_ =	sdelay $0x4  }
0x190: {  	vm1 =	vnez.u8 v6;
	v6 =	vld [tilespmem:$0x1FD10];
	_ =	sdelay $0x3  }
0x191: {  	v63 =	vsel vm9, $0x0, v5;
	[tilespmem:v2+s11+$0xA140] =	vst.idx.msk $0xffff, v7;
	v7 =	vsel vm11, $0x0, v5  }
0x192: {  	v18 =	vsel vm1, v63, v7;
	v16 =	vsel vm1, v7, v63;
	vm1 =	vnez.u8 v6;
	v6 =	vld [tilespmem:$0x1FD20];
	_ =	sdelay $0x3  }
0x193: {  	v40 =	vsel vm6, $0x3F800000, v4;
	v41 =	vsel vm5, $0x3F800000, v4  }
0x194: {  	s14 =	sadd.s32 $0x8, s14;
	v12 =	vsel vm1, v40, v41;
	v11 =	vsel vm1, v41, v40;
	vm1 =	vnez.u8 v6;
	v6 =	vld [tilespmem:$0x1FD30]  }
0x195: {  	p2 =	slt.u32 s14, $0x78;
	v43 =	vsel vm6, $0x0, v5  }
.Ltmp4:
0x196: {  	v44 =	vsel vm7, $0x3F800000, v4;
	v45 =	vsel vm12, $0x3F800000, v4;
	v17 =	vsel vm12, $0x0, v5;
	(pc) =	sbr.rel @p2 .LBB2_9-.Ltmp4, $4  }
0x197: {  	[tilespmem:v3+s11+$0xA140] =	vst.idx.msk $0xffff, v19;
	v19 =	vsel vm7, $0x0, v5;
	v42 =	vsel vm5, $0x0, v5;
	v15 =	vsel vm8, $0x3F800000, v4  }
0x198: {  	v28 =	vsel vm8, $0x0, v5;
	v35 =	vsel vm2, $0x3F800000, v4;
	v34 =	vsel vm2, $0x0, v5  }
0x199: {  	[tilespmem:v3+s11+$0xA180] =	vst.idx.msk $0xffff, v13;
	v10 =	vsel vm1, v42, v43;
	v8 =	vsel vm1, v43, v42;
	vm1 =	vnez.u8 v6  }
0x19a: {  	s6 =	sadd.s32 $0x800, s6;
	s11 =	smov.u32 s0;
	v7 =	vsel vm0, v17, v19;
	v9 =	vsel vm1, v44, v45;
	v6 =	vsel vm1, v45, v44  }
0x19b: {  	_ =	sdelay $0x3  }
0x19c: {  	[tilespmem:v0+s11+$0xA000] =	vst.idx.msk $0xffff, v14  }
0x19d: {  	[tilespmem:v0+s11+$0xA040] =	vst.idx.msk $0xffff, v31  }
0x19e: {  	[tilespmem:v0+s11+$0xA080] =	vst.idx.msk $0xffff, v25  }
0x19f: {  	[tilespmem:v0+s11+$0xA0C0] =	vst.idx.msk $0xffff, v21  }
0x1a0: {  	[tilespmem:v0+s11+$0xA100] =	vst.idx.msk $0xffff, v12  }
0x1a1: {  	[tilespmem:v0+s11+$0xA140] =	vst.idx.msk $0xffff, v9  }
0x1a2: {  	[tilespmem:v1+s11+$0xA000] =	vst.idx.msk $0xffff, v30  }
0x1a3: {  	[tilespmem:v1+s11+$0xA040] =	vst.idx.msk $0xffff, v29  }
0x1a4: {  	[tilespmem:v1+s11+$0xA080] =	vst.idx.msk $0xffff, v24  }
0x1a5: {  	[tilespmem:v1+s11+$0xA0C0] =	vst.idx.msk $0xffff, v20  }
0x1a6: {  	[tilespmem:v1+s11+$0xA100] =	vst.idx.msk $0xffff, v11  }
0x1a7: {  	[tilespmem:v1+s11+$0xA140] =	vst.idx.msk $0xffff, v6  }
0x1a8: {  	[tilespmem:v2+s11+$0xA000] =	vst.idx.msk $0xffff, v33  }
0x1a9: {  	[tilespmem:v2+s11+$0xA040] =	vst.idx.msk $0xffff, v27  }
0x1aa: {  	[tilespmem:v2+s11+$0xA080] =	vst.idx.msk $0xffff, v23  }
0x1ab: {  	[tilespmem:v2+s11+$0xA0C0] =	vst.idx.msk $0xffff, v18  }
0x1ac: {  	[tilespmem:v2+s11+$0xA100] =	vst.idx.msk $0xffff, v10  }
0x1ad: {  	[tilespmem:v2+s11+$0xA140] =	vst.idx.msk $0xffff, v7  }
0x1ae: {  	[tilespmem:v3+s11+$0xA000] =	vst.idx.msk $0xffff, v32  }
0x1af: {  	[tilespmem:v3+s11+$0xA040] =	vst.idx.msk $0xffff, v26  }
0x1b0: {  	[tilespmem:v3+s11+$0xA080] =	vst.idx.msk $0xffff, v22  }
0x1b1: {  	[tilespmem:v3+s11+$0xA0C0] =	vst.idx.msk $0xffff, v16  }
0x1b2: {  	[tilespmem:v3+s11+$0xA100] =	vst.idx.msk $0xffff, v8  }
0x1b3: {  	v7 =	vld [tilespmem:$0x1FD40];
	_ =	sdelay $0x4  }
0x1b4: {  	v6 =	vsel vm0, v19, v17;
	vm14 =	vnez.u8 v7  }
0x1b5: {  	[tilespmem:v3+s11+$0xA140] =	vst.idx.msk $0xffff, v6;
	v7 =	vsel vm14, v35, v15  }
0x1b6: {  	[tilespmem:v0+s11+$0xA180] =	vst.idx.msk $0xffff, v7  }
0x1b7: {  	v7 =	vld [tilespmem:$0x1FD50];
	_ =	sdelay $0x4  }
.Ltmp5:
0x1b8: {  	v6 =	vsel vm14, v15, v35;
	vm15 =	vnez.u8 v7;
	(pc) =	sbr.rel @p1 .LBB2_12-.Ltmp5, $4  }
0x1b9: {  	[tilespmem:v1+s11+$0xA180] =	vst.idx.msk $0xffff, v6;
	v7 =	vsel vm15, v28, v34  }
0x1ba: {  	v6 =	vsel vm15, v34, v28;
	[tilespmem:v2+s11+$0xA180] =	vst.idx.msk $0xffff, v7  }
0x1bb: {  	s0 =	sadd.s32 s10, s13;
	[tilespmem:v3+s11+$0xA180] =	vst.idx.msk $0xffff, v6  }
0x1bc: {  	[hbm4b:s0+s15] =	stream.strided.scatter [tilespmem:s24], [sflag:$0x6], $0x2000, s16, s15, $0x38;
	[tilespmem:$0x10000] =	vst v63  }
.Ltmp6:
0x1bd: {  	(pc) =	sbr.rel .LBB2_13-.Ltmp6, $4  }
0x1be: {  	_ = 	snop  }
0x1bf: {  	_ =	swait.ge [sflag:s25], $0x2000  }
0x1c0: {  	[sflag:s25] =	ssyncset.done $0x0  }
0x1c1: {  	[sflag:s25] =	ssyncadd.s32 $0xFFFFE000  }
.LBB2_12:
0x1c2: {  	s0 =	sshll.u32 s19, $0xC  }
0x1c3: {  	s6 =	sshll.u32 s19, $0x5;
	s0 =	sadd.s32 s5, s0  }
0x1c4: {  	s6 =	sand.u32 $0x60, s6;
	s0 =	sand.u32 $0xFFC000, s0  }
0x1c5: {  	s0 =	sor.u32 s0, s6  }
.Ltmp7:
0x1c6: {  	s0 =	sadd.s32 s0, s7;
	(pc) =	sbr.rel @p0 .LBB2_14-.Ltmp7, $4  }
0x1c7: {  	[tilespmem:s17], [sflag:$0x2] =	stream.strided.gather [hbm4b:s0+s15], $0x2000, s16, s15, $0x38;
	[tilespmem:$0x10000] =	vst v63  }
0x1c8: {  	_ =	swait.ge [sflag:s25], $0x2000  }
0x1c9: {  	[sflag:s25] =	ssyncset.done $0x0  }
0x1ca: {  	[sflag:s25] =	ssyncadd.s32 $0xFFFFE000  }
.LBB2_13:
0x1cb: {  	_ =	swait.ge [sflag:s26], $0x2000  }
0x1cc: {  	[sflag:s26] =	ssyncset.done $0x0  }
0x1cd: {  	[sflag:s26] =	ssyncadd.s32 $0xFFFFE000  }
.LBB2_14:
0x1ce: {  	_ =	sdelay $0x2  }
0x1cf: {  	s11 =	simm.s32 $0x0  }
0x1d0: {  	v6 =	vld.idx.msk [tilespmem:v0+s11+$0x41C0], $0xffff  }
0x1d1: {  	v7 =	vld.idx.msk [tilespmem:v1+s11+$0x41C0], $0xffff  }
0x1d2: {  	v8 =	vld.idx.msk [tilespmem:v2+s11+$0x41C0], $0xffff  }
0x1d3: {  	v9 =	vld.idx.msk [tilespmem:v3+s11+$0x41C0], $0xffff  }
0x1d4: {  	v10 =	vld.idx.msk [tilespmem:v0+s11+$0x4000], $0xffff  }
0x1d5: {  	v11 =	vld.idx.msk [tilespmem:v1+s11+$0x4000], $0xffff  }
0x1d6: {  	v12 =	vld.idx.msk [tilespmem:v2+s11+$0x4000], $0xffff  }
0x1d7: {  	v14 =	vld.idx.msk [tilespmem:v3+s11+$0x4000], $0xffff  }
0x1d8: {  	v26 =	vimm.s32 $0x0;
	v15 =	vld.idx.msk [tilespmem:v0+s11+$0x4040], $0xffff;
	vm0 =	vge.f32 v6, v7;
	vm1 =	vge.f32 v8, v9  }
0x1d9: {  	v16 =	vld.idx.msk [tilespmem:v1+s11+$0x4040], $0xffff;
	v13 =	vsel vm0, v6, v7;
	v6 =	vsel vm0, v7, v6;
	v7 =	vsel vm1, v8, v9  }
0x1da: {  	v17 =	vld.idx.msk [tilespmem:v2+s11+$0x4040], $0xffff;
	vm5 =	vge.f32 v10, v11;
	vm3 =	vge.f32 v6, v7;
	v6 =	vimm.s32 $0x0  }
0x1db: {  	v18 =	vld.idx.msk [tilespmem:v3+s11+$0x4040], $0xffff;
	v8 =	vsel vm1, v9, v8;
	v20 =	vsel vm5, v10, v11;
	v6 =	vsel vm5, $0xFFFFFFFF, v6  }
0x1dc: {  	v10 =	vsel vm5, v11, v10;
	vm2 =	vge.f32 v13, v7;
	vm4 =	vge.f32 v13, v8;
	[tilespmem:$0x1FBE0] =	vst v6  }
0x1dd: {  	vm4 =	vmor vm2, vm4;
	vm2 =	vmand vm2, vm3;
	vm3 =	vge.f32 v12, v14;
	v8 =	vld.idx.msk [tilespmem:v0+s11+$0x4080], $0xffff  }
0x1de: {  	v7 =	vsel vm4, $0x3F800000, v4;
	v9 =	vsel vm2, $0x3F800000, v4;
	v22 =	vsel vm2, $0x0, v5;
	v19 =	vld.idx.msk [tilespmem:v1+s11+$0x4080], $0xffff  }
0x1df: {  	v23 =	vsel vm4, $0x0, v5;
	v11 =	vld.idx.msk [tilespmem:v2+s11+$0x4080], $0xffff;
	v6 =	vsel vm0, v7, v9;
	v9 =	vsel vm0, v9, v7  }
0x1e0: {  	v21 =	vld.idx.msk [tilespmem:v3+s11+$0x4080], $0xffff;
	v13 =	vsel vm1, v22, v23;
	v7 =	vsel vm1, v23, v22;
	v22 =	vimm.s32 $0x0  }
0x1e1: {  	vm0 =	vge.f32 v15, v16;
	v24 =	vld.idx.msk [tilespmem:v0+s11+$0x40C0], $0xffff;
	v23 =	vimm.s32 $0x0;
	v22 =	vsel vm3, $0xFFFFFFFF, v22  }
0x1e2: {  	vm2 =	vge.f32 v17, v18;
	v25 =	vld.idx.msk [tilespmem:v1+s11+$0x40C0], $0xffff;
	v23 =	vsel vm0, $0xFFFFFFFF, v23;
	[tilespmem:$0x1FBF0] =	vst v22;
	v22 =	vsel vm3, v12, v14  }
0x1e3: {  	v26 =	vsel vm2, $0xFFFFFFFF, v26;
	v12 =	vsel vm3, v14, v12;
	v14 =	vld.idx.msk [tilespmem:v2+s11+$0x40C0], $0xffff;
	[tilespmem:$0x1FC00] =	vst v23;
	v23 =	vsel vm0, v15, v16  }
0x1e4: {  	v15 =	vsel vm0, v16, v15;
	v16 =	vld.idx.msk [tilespmem:v3+s11+$0x40C0], $0xffff;
	[tilespmem:$0x1FC10] =	vst v26;
	v26 =	vsel vm2, v17, v18  }
0x1e5: {  	v17 =	vsel vm2, v18, v17;
	v18 =	vimm.s32 $0x0;
	vm1 =	vge.f32 v8, v19  }
0x1e6: {  	v18 =	vsel vm1, $0xFFFFFFFF, v18  }
0x1e7: {  	vm2 =	vge.f32 v10, v22;
	v10 =	vimm.s32 $0x0;
	vm3 =	vge.f32 v11, v21;
	[tilespmem:$0x1FC20] =	vst v18  }
0x1e8: {  	vm0 =	vge.f32 v20, v22;
	v10 =	vsel vm3, $0xFFFFFFFF, v10;
	v18 =	vsel vm1, v8, v19;
	v27 =	vld.idx.msk [tilespmem:v0+s11+$0x4100], $0xffff  }
0x1e9: {  	v8 =	vsel vm1, v19, v8;
	v19 =	vld.idx.msk [tilespmem:v1+s11+$0x4100], $0xffff;
	[tilespmem:$0x1FC30] =	vst v10;
	v10 =	vsel vm3, v11, v21  }
0x1ea: {  	v11 =	vsel vm3, v21, v11;
	vm3 =	vge.f32 v20, v12;
	v21 =	vld.idx.msk [tilespmem:v2+s11+$0x4100], $0xffff;
	vm9 =	vge.f32 v18, v10  }
0x1eb: {  	v12 =	vld.idx.msk [tilespmem:v3+s11+$0x4100], $0xffff;
	vm8 =	vge.f32 v14, v16;
	vm10 =	vge.f32 v8, v10;
	vm1 =	vmor vm0, vm3  }
0x1ec: {  	v22 =	vld.idx.msk [tilespmem:v0+s11+$0x4140], $0xffff;
	v8 =	vsel vm8, v14, v16;
	v10 =	vsel vm8, v16, v14;
	v16 =	vimm.s32 $0x0  }
0x1ed: {  	vm4 =	vge.f32 v23, v26;
	vm7 =	vge.f32 v23, v17;
	v17 =	vld.idx.msk [tilespmem:v1+s11+$0x4140], $0xffff;
	v16 =	vsel vm1, $0xFFFFFFFF, v16  }
0x1ee: {  	vm0 =	vmand vm0, vm2;
	v14 =	vld.idx.msk [tilespmem:v2+s11+$0x4140], $0xffff;
	vm1 =	vmor vm4, vm7;
	[tilespmem:$0x1FB90] =	vst v16;
	v16 =	vimm.s32 $0x0  }
0x1ef: {  	v16 =	vsel vm0, $0xFFFFFFFF, v16;
	vm0 =	vge.f32 v18, v11;
	v11 =	vimm.s32 $0x0  }
0x1f0: {  	vm14 =	vge.f32 v24, v25;
	vm15 =	vge.f32 v15, v26;
	v11 =	vsel vm1, $0xFFFFFFFF, v11  }
0x1f1: {  	v15 =	vsel vm14, v24, v25;
	vm1 =	vmand vm4, vm15;
	[tilespmem:$0x1FBB0] =	vst v11;
	v11 =	vimm.s32 $0x0  }
0x1f2: {  	v18 =	vimm.s32 $0x0;
	[tilespmem:$0x1FB80] =	vst v16;
	vm0 =	vmor vm9, vm0;
	v11 =	vsel vm1, $0xFFFFFFFF, v11  }
0x1f3: {  	vm2 =	vge.f32 v15, v8;
	v18 =	vsel vm0, $0xFFFFFFFF, v18;
	vm0 =	vge.f32 v15, v10;
	[tilespmem:$0x1FBA0] =	vst v11  }
0x1f4: {  	v20 =	vsel vm14, v25, v24;
	v15 =	vimm.s32 $0x0;
	vm0 =	vmor vm2, vm0;
	v11 =	vld.idx.msk [tilespmem:v3+s11+$0x4140], $0xffff  }
0x1f5: {  	vm11 =	vge.f32 v27, v19;
	vm12 =	vge.f32 v21, v12;
	v15 =	vsel vm0, $0xFFFFFFFF, v15;
	v16 =	vld.idx.msk [tilespmem:v0+s11+$0x4180], $0xffff;
	[tilespmem:$0x1FBC0] =	vst v18  }
0x1f6: {  	vm13 =	vge.f32 v22, v17;
	vm0 =	vge.f32 v20, v8;
	v10 =	vld.idx.msk [tilespmem:v1+s11+$0x4180], $0xffff;
	[tilespmem:$0x1FBD0] =	vst v15  }
0x1f7: {  	v8 =	vsel vm11, v27, v19;
	v18 =	vsel vm11, v19, v27;
	v19 =	vsel vm12, v21, v12;
	v15 =	vld.idx.msk [tilespmem:v2+s11+$0x4180], $0xffff  }
0x1f8: {  	vm7 =	vmand vm2, vm0;
	v12 =	vsel vm12, v12, v21;
	vm2 =	vge.f32 v8, v19;
	v20 =	vld.idx.msk [tilespmem:v3+s11+$0x4180], $0xffff  }
0x1f9: {  	vm3 =	vge.f32 v18, v19;
	vm0 =	vge.f32 v8, v12;
	v8 =	vsel vm13, v22, v17  }
0x1fa: {  	v12 =	vsel vm13, v17, v22;
	v18 =	vimm.s32 $0x0;
	vm6 =	vmor vm2, vm0  }
0x1fb: {  	vm4 =	vmand vm2, vm3;
	vm0 =	vge.f32 v14, v11;
	vm1 =	vge.f32 v16, v10  }
0x1fc: {  	v17 =	vsel vm0, v14, v11;
	v11 =	vsel vm0, v11, v14;
	v14 =	vsel vm1, v16, v10  }
0x1fd: {  	v18 =	vsel vm1, $0xFFFFFFFF, v18;
	v10 =	vsel vm1, v10, v16;
	vm1 =	vge.f32 v15, v20  }
0x1fe: {  	vm5 =	vge.f32 v8, v17;
	vm3 =	vge.f32 v8, v11;
	v8 =	vimm.s32 $0x0  }
0x1ff: {  	v8 =	vsel vm1, $0xFFFFFFFF, v8  }
0x200: {  	v16 =	vsel vm1, v15, v20;
	[tilespmem:$0x1FB70] =	vst v8;
	v8 =	vsel vm1, v20, v15  }
0x201: {  	vm15 =	vmand vm9, vm10;
	vm10 =	vge.f32 v14, v16;
	vm1 =	vge.f32 v14, v8  }
0x202: {  	v8 =	vimm.s32 $0x0;
	vm1 =	vmor vm10, vm1  }
0x203: {  	v8 =	vsel vm1, $0xFFFFFFFF, v8  }
0x204: {  	[tilespmem:$0x1FC40] =	vst v8;
	v8 =	vld [tilespmem:$0x1FB80]  }
0x205: {  	v11 =	vld [tilespmem:$0x1FB90]  }
0x206: {  	v14 =	vld [tilespmem:$0x1FBA0];
	_ =	sdelay $0x2  }
0x207: {  	vm9 =	vge.f32 v12, v17;
	vm2 =	vge.f32 v10, v16;
	vm1 =	vnez.u8 v8  }
0x208: {  	v8 =	vsel vm1, $0x3F800000, v4;
	v10 =	vsel vm1, $0x0, v5;
	vm1 =	vnez.u8 v11  }
0x209: {  	v11 =	vsel vm1, $0x3F800000, v4;
	v12 =	vsel vm1, $0x0, v5;
	vm1 =	vnez.u8 v14;
	v14 =	vld [tilespmem:$0x1FBB0];
	_ =	sdelay $0x4  }
0x20a: {  	v15 =	vsel vm1, $0x3F800000, v4;
	v16 =	vsel vm1, $0x0, v5;
	vm1 =	vnez.u8 v14;
	v14 =	vld [tilespmem:$0x1FBC0];
	_ =	sdelay $0x4  }
0x20b: {  	[tilespmem:$0x1FB60] =	vst v18;
	v18 =	vsel vm1, $0x3F800000, v4;
	v19 =	vsel vm1, $0x0, v5;
	vm1 =	vnez.u8 v14;
	v14 =	vld [tilespmem:$0x1FBD0];
	_ =	sdelay $0x4  }
0x20c: {  	v22 =	vsel vm1, $0x3F800000, v4;
	v28 =	vsel vm1, $0x0, v5;
	vm1 =	vnez.u8 v14;
	v14 =	vld [tilespmem:$0x1FBE0];
	_ =	sdelay $0x4  }
0x20d: {  	v36 =	vsel vm1, $0x3F800000, v4;
	v37 =	vsel vm1, $0x0, v5;
	vm1 =	vnez.u8 v14  }
0x20e: {  	v14 =	vsel vm1, v11, v8;
	v30 =	vsel vm1, v8, v11;
	v8 =	vld [tilespmem:$0x1FBF0];
	_ =	sdelay $0x4  }
0x20f: {  	vm1 =	vnez.u8 v8;
	v8 =	vld [tilespmem:$0x1FC00];
	_ =	sdelay $0x4  }
0x210: {  	v33 =	vsel vm1, v10, v12;
	v32 =	vsel vm1, v12, v10;
	vm1 =	vnez.u8 v8;
	v8 =	vld [tilespmem:$0x1FC10];
	_ =	sdelay $0x4  }
0x211: {  	v31 =	vsel vm1, v18, v15;
	v29 =	vsel vm1, v15, v18;
	vm1 =	vnez.u8 v8;
	v8 =	vld [tilespmem:$0x1FC20];
	_ =	sdelay $0x1  }
0x212: {  	v21 =	vsel vm15, $0x0, v5;
	v34 =	vsel vm7, $0x3F800000, v4;
	v35 =	vsel vm7, $0x0, v5  }
0x213: {  	v38 =	vsel vm4, $0x3F800000, v4;
	v39 =	vsel vm4, $0x0, v5;
	v40 =	vsel vm6, $0x3F800000, v4  }
0x214: {  	v41 =	vsel vm6, $0x0, v5;
	vm3 =	vmor vm5, vm3;
	vm9 =	vmand vm5, vm9  }
0x215: {  	v27 =	vsel vm1, v16, v19;
	v26 =	vsel vm1, v19, v16;
	vm1 =	vnez.u8 v8;
	v8 =	vld [tilespmem:$0x1FC30];
	[tilespmem:v0+s11+$0xC1C0] =	vst.idx.msk $0xffff, v6  }
0x216: {  	v20 =	vsel vm15, $0x3F800000, v4;
	v42 =	vsel vm9, $0x3F800000, v4;
	v17 =	vsel vm9, $0x0, v5;
	[tilespmem:v1+s11+$0xC1C0] =	vst.idx.msk $0xffff, v9  }
0x217: {  	v63 =	vsel vm3, $0x3F800000, v4;
	vm10 =	vmand vm10, vm2;
	v11 =	vsel vm11, v38, v40;
	[tilespmem:v2+s11+$0xC1C0] =	vst.idx.msk $0xffff, v13  }
0x218: {  	v12 =	vsel vm11, v40, v38;
	v10 =	vsel vm12, v39, v41;
	v18 =	vsel vm8, v35, v37;
	v13 =	vld [tilespmem:$0x1FC40]  }
0x219: {  	v15 =	vsel vm10, $0x3F800000, v4;
	v16 =	vsel vm8, v37, v35;
	v19 =	vsel vm3, $0x0, v5  }
0x21a: {  	v6 =	vsel vm13, v42, v63;
	v25 =	vsel vm1, v22, v20;
	v24 =	vsel vm1, v20, v22  }
0x21b: {  	v20 =	vsel vm14, v34, v36;
	v9 =	vsel vm13, v63, v42;
	[tilespmem:v3+s11+$0xC1C0] =	vst.idx.msk $0xffff, v7;
	vm1 =	vnez.u8 v8  }
0x21c: {  	v7 =	vsel vm0, v17, v19;
	v8 =	vsel vm12, v41, v39;
	v23 =	vsel vm1, v21, v28  }
0x21d: {  	v22 =	vsel vm1, v28, v21;
	v21 =	vsel vm14, v36, v34;
	vm1 =	vnez.u8 v13  }
0x21e: {  	s14 =	simm.s32 $0x0;
	s6 =	simm.s32 $0x800;
	v28 =	vsel vm10, $0x0, v5;
	v35 =	vsel vm1, $0x3F800000, v4;
	v34 =	vsel vm1, $0x0, v5  }
.LBB2_15:
0x21f: {  	v13 =	vld [tilespmem:$0x1FB60];
	_ =	sdelay $0x4  }
0x220: {  	v19 =	vsel vm0, v19, v17;
	vm0 =	vnez.u8 v13;
	v13 =	vld [tilespmem:$0x1FB70]  }
0x221: {  	s0 =	sshra.s32 s6, $0x2;
	[tilespmem:v0+s11+$0xC000] =	vst.idx.msk $0xffff, v14  }
0x222: {  	v42 =	vld.idx.msk [tilespmem:v0+s0+$0x41C0], $0xffff;
	[tilespmem:v1+s11+$0xC000] =	vst.idx.msk $0xffff, v30  }
0x223: {  	v30 =	vld.idx.msk [tilespmem:v2+s0+$0x41C0], $0xffff;
	[tilespmem:v2+s11+$0xC000] =	vst.idx.msk $0xffff, v33  }
0x224: {  	v43 =	vld.idx.msk [tilespmem:v3+s0+$0x41C0], $0xffff;
	[tilespmem:v3+s11+$0xC000] =	vst.idx.msk $0xffff, v32  }
0x225: {  	v32 =	vld.idx.msk [tilespmem:v0+s0+$0x4000], $0xffff;
	v17 =	vsel vm0, v35, v15;
	v15 =	vsel vm0, v15, v35;
	vm0 =	vnez.u8 v13  }
0x226: {  	[tilespmem:v0+s11+$0xC040] =	vst.idx.msk $0xffff, v31;
	v14 =	vsel vm0, v28, v34;
	v13 =	vsel vm0, v34, v28;
	v28 =	vld.idx.msk [tilespmem:v1+s0+$0x41C0], $0xffff  }
0x227: {  	[tilespmem:v0+s11+$0xC080] =	vst.idx.msk $0xffff, v25;
	v31 =	vld.idx.msk [tilespmem:v1+s0+$0x4000], $0xffff  }
0x228: {  	[tilespmem:v1+s11+$0xC040] =	vst.idx.msk $0xffff, v29  }
0x229: {  	[tilespmem:v2+s11+$0xC040] =	vst.idx.msk $0xffff, v27;
	v29 =	vld.idx.msk [tilespmem:v2+s0+$0x4000], $0xffff  }
0x22a: {  	[tilespmem:v3+s11+$0xC040] =	vst.idx.msk $0xffff, v26;
	v27 =	vld.idx.msk [tilespmem:v3+s0+$0x4000], $0xffff  }
0x22b: {  	[tilespmem:v1+s11+$0xC080] =	vst.idx.msk $0xffff, v24;
	v24 =	vld.idx.msk [tilespmem:v2+s0+$0x4040], $0xffff;
	vm0 =	vge.f32 v30, v43;
	vm1 =	vge.f32 v42, v28  }
0x22c: {  	v46 =	vld.idx.msk [tilespmem:v3+s0+$0x4040], $0xffff;
	vm5 =	vge.f32 v32, v31;
	v45 =	vsel vm0, v30, v43;
	v44 =	vsel vm1, v42, v28  }
0x22d: {  	v30 =	vsel vm0, v43, v30;
	v28 =	vsel vm1, v28, v42;
	vm2 =	vge.f32 v44, v45  }
0x22e: {  	v26 =	vld.idx.msk [tilespmem:v0+s0+$0x4040], $0xffff;
	vm3 =	vge.f32 v28, v45;
	vm4 =	vge.f32 v44, v30;
	v28 =	vimm.s32 $0x0  }
0x22f: {  	v25 =	vld.idx.msk [tilespmem:v1+s0+$0x4040], $0xffff;
	v28 =	vsel vm5, $0xFFFFFFFF, v28;
	vm4 =	vmor vm2, vm4  }
0x230: {  	vm2 =	vmand vm2, vm3;
	vm3 =	vge.f32 v29, v27;
	[tilespmem:$0x1FAB0] =	vst v28;
	v30 =	vsel vm4, $0x3F800000, v4  }
0x231: {  	v28 =	vld.idx.msk [tilespmem:v0+s0+$0x4080], $0xffff;
	[tilespmem:v2+s11+$0xC080] =	vst.idx.msk $0xffff, v23;
	v47 =	vsel vm2, $0x3F800000, v4;
	v37 =	vsel vm2, $0x0, v5;
	vm2 =	vge.f32 v24, v46  }
0x232: {  	v52 =	vimm.s32 $0x0;
	v53 =	vsel vm3, v29, v27;
	v27 =	vsel vm3, v27, v29;
	v23 =	vld.idx.msk [tilespmem:v1+s0+$0x4080], $0xffff;
	[tilespmem:v3+s11+$0xC080] =	vst.idx.msk $0xffff, v22  }
0x233: {  	v22 =	vsel vm5, v32, v31;
	v31 =	vsel vm5, v31, v32;
	v49 =	vsel vm1, v30, v47  }
0x234: {  	v38 =	vsel vm4, $0x0, v5;
	v30 =	vsel vm1, v47, v30;
	vm1 =	vge.f32 v26, v25;
	[tilespmem:v0+s0+$0xC1C0] =	vst.idx.msk $0xffff, v49  }
0x235: {  	v54 =	vimm.s32 $0x0;
	v55 =	vsel vm2, v24, v46;
	v48 =	vld.idx.msk [tilespmem:v2+s0+$0x4080], $0xffff;
	[tilespmem:v1+s0+$0xC1C0] =	vst.idx.msk $0xffff, v30;
	v30 =	vsel vm0, v37, v38  }
0x236: {  	v56 =	vimm.s32 $0x0;
	v24 =	vsel vm2, v46, v24;
	v36 =	vld.idx.msk [tilespmem:v3+s0+$0x4080], $0xffff;
	[tilespmem:v2+s0+$0xC1C0] =	vst.idx.msk $0xffff, v30;
	v30 =	vsel vm0, v38, v37  }
0x237: {  	vm4 =	vge.f32 v31, v53;
	v31 =	vimm.s32 $0x0;
	[tilespmem:v3+s0+$0xC1C0] =	vst.idx.msk $0xffff, v30;
	v30 =	vimm.s32 $0x0  }
0x238: {  	vm5 =	vge.f32 v22, v27;
	v37 =	vsel vm3, $0xFFFFFFFF, v52;
	v30 =	vsel vm1, $0xFFFFFFFF, v30  }
0x239: {  	v50 =	vld.idx.msk [tilespmem:v0+s0+$0x40C0], $0xffff;
	v38 =	vsel vm2, $0xFFFFFFFF, v54;
	vm0 =	vge.f32 v28, v23;
	[tilespmem:$0x1FAD0] =	vst v30;
	v30 =	vsel vm1, v26, v25  }
0x23a: {  	v51 =	vld.idx.msk [tilespmem:v1+s0+$0x40C0], $0xffff;
	v25 =	vsel vm1, v25, v26;
	v33 =	vsel vm0, $0xFFFFFFFF, v56;
	v57 =	vsel vm0, v28, v23  }
0x23b: {  	v39 =	vld.idx.msk [tilespmem:v0+s0+$0x4100], $0xffff;
	vm1 =	vge.f32 v22, v53;
	vm2 =	vge.f32 v48, v36;
	v23 =	vsel vm0, v23, v28  }
0x23c: {  	v29 =	vld.idx.msk [tilespmem:v2+s0+$0x40C0], $0xffff;
	v22 =	vimm.s32 $0x0;
	v31 =	vsel vm2, $0xFFFFFFFF, v31;
	v32 =	vsel vm2, v36, v48  }
0x23d: {  	v26 =	vld.idx.msk [tilespmem:v3+s0+$0x40C0], $0xffff;
	vm0 =	vge.f32 v30, v55;
	vm11 =	vge.f32 v25, v55;
	vm3 =	vge.f32 v30, v24  }
0x23e: {  	v28 =	vld.idx.msk [tilespmem:v1+s0+$0x4100], $0xffff;
	v24 =	vimm.s32 $0x0;
	v30 =	vimm.s32 $0x0;
	vm5 =	vmor vm1, vm5  }
0x23f: {  	vm1 =	vmand vm1, vm4;
	[tilespmem:$0x1FB00] =	vst v31;
	v31 =	vsel vm2, v48, v36;
	vm2 =	vge.f32 v50, v51  }
0x240: {  	vm12 =	vge.f32 v57, v32;
	v22 =	vsel vm2, $0xFFFFFFFF, v22;
	v25 =	vsel vm2, v50, v51  }
0x241: {  	v58 =	vld.idx.msk [tilespmem:v2+s0+$0x4100], $0xffff;
	v27 =	vsel vm2, v51, v50;
	vm6 =	vge.f32 v23, v31;
	v23 =	vimm.s32 $0x0  }
0x242: {  	vm10 =	vge.f32 v57, v31;
	v31 =	vimm.s32 $0x0;
	[tilespmem:$0x1FB10] =	vst v22;
	v22 =	vld.idx.msk [tilespmem:v3+s0+$0x4100], $0xffff;
	v23 =	vsel vm6, $0xFFFFFFFF, v23  }
0x243: {  	[tilespmem:v0+s11+$0xC0C0] =	vst.idx.msk $0xffff, v21;
	v31 =	vsel vm5, $0xFFFFFFFF, v31;
	vm2 =	vge.f32 v29, v26;
	vm14 =	vge.f32 v39, v28  }
0x244: {  	v59 =	vld.idx.msk [tilespmem:v0+s0+$0x4140], $0xffff;
	[tilespmem:$0x1FA70] =	vst v23;
	v24 =	vsel vm2, $0xFFFFFFFF, v24;
	v23 =	vsel vm2, v29, v26;
	v26 =	vsel vm2, v26, v29  }
0x245: {  	v30 =	vsel vm14, $0xFFFFFFFF, v30;
	[tilespmem:$0x1FB20] =	vst v24;
	v24 =	vld.idx.msk [tilespmem:v1+s0+$0x4140], $0xffff;
	vm2 =	vge.f32 v25, v23;
	vm9 =	vge.f32 v27, v23  }
0x246: {  	[tilespmem:v1+s11+$0xC0C0] =	vst.idx.msk $0xffff, v20;
	v29 =	vld.idx.msk [tilespmem:v2+s0+$0x4140], $0xffff;
	v23 =	vsel vm14, v39, v28;
	vm5 =	vge.f32 v25, v26;
	v26 =	vimm.s32 $0x0  }
0x247: {  	[tilespmem:$0x1FB30] =	vst v30;
	v30 =	vld.idx.msk [tilespmem:v3+s0+$0x4140], $0xffff;
	v25 =	vimm.s32 $0x0;
	v26 =	vsel vm1, $0xFFFFFFFF, v26;
	vm15 =	vge.f32 v58, v22  }
0x248: {  	v27 =	vsel vm14, v28, v39;
	[tilespmem:$0x1FAA0] =	vst v26;
	v25 =	vsel vm15, $0xFFFFFFFF, v25;
	v26 =	vsel vm15, v58, v22  }
0x249: {  	[tilespmem:v2+s11+$0xC0C0] =	vst.idx.msk $0xffff, v18;
	vm8 =	vge.f32 v23, v26;
	vm1 =	vge.f32 v27, v26;
	v26 =	vimm.s32 $0x0  }
0x24a: {  	v28 =	vld.idx.msk [tilespmem:v0+s0+$0x4180], $0xffff;
	v22 =	vsel vm15, v22, v58;
	[tilespmem:$0x1FB40] =	vst v25;
	v26 =	vsel vm1, $0xFFFFFFFF, v26;
	vm1 =	vge.f32 v59, v24  }
0x24b: {  	v25 =	vld.idx.msk [tilespmem:v1+s0+$0x4180], $0xffff;
	vm6 =	vge.f32 v23, v22;
	[tilespmem:$0x1FA80] =	vst v26;
	v26 =	vimm.s32 $0x0;
	v22 =	vsel vm1, v59, v24  }
0x24c: {  	[tilespmem:$0x1FA90] =	vst v31;
	v31 =	vld.idx.msk [tilespmem:v2+s0+$0x4180], $0xffff;
	v23 =	vsel vm1, v24, v59;
	v26 =	vsel vm1, $0xFFFFFFFF, v26;
	vm1 =	vge.f32 v29, v30  }
0x24d: {  	vm13 =	vmand vm0, vm11;
	[tilespmem:v0+s11+$0xC100] =	vst.idx.msk $0xffff, v12;
	v12 =	vld [tilespmem:$0x1FAA0];
	v21 =	vsel vm1, v29, v30;
	v24 =	vsel vm1, v30, v29  }
0x24e: {  	[tilespmem:v3+s11+$0xC0C0] =	vst.idx.msk $0xffff, v16;
	vm14 =	vmor vm0, vm3;
	vm3 =	vge.f32 v22, v21;
	vm7 =	vge.f32 v22, v24;
	v22 =	vld [tilespmem:$0x1FA70]  }
0x24f: {  	vm11 =	vmor vm2, vm5;
	vm9 =	vmand vm2, vm9;
	vm15 =	vmor vm10, vm12;
	[tilespmem:$0x1FB50] =	vst v26;
	v26 =	vld.idx.msk [tilespmem:v3+s0+$0x4180], $0xffff  }
0x250: {  	[tilespmem:v1+s11+$0xC100] =	vst.idx.msk $0xffff, v11;
	v16 =	vld [tilespmem:$0x1FA80];
	vm12 =	vge.f32 v23, v21;
	vm0 =	vge.f32 v28, v25;
	v21 =	vimm.s32 $0x0  }
0x251: {  	vm6 =	vmor vm8, vm6;
	[tilespmem:v0+s11+$0xC180] =	vst.idx.msk $0xffff, v17;
	v20 =	vsel vm0, v28, v25;
	v21 =	vsel vm0, $0xFFFFFFFF, v21  }
0x252: {  	[tilespmem:v1+s11+$0xC180] =	vst.idx.msk $0xffff, v15;
	vm7 =	vmor vm3, vm7;
	vm12 =	vmand vm3, vm12;
	vm3 =	vnez.u8 v12  }
0x253: {  	v11 =	vld [tilespmem:$0x1FA90];
	[tilespmem:$0x1FB60] =	vst v21;
	v21 =	vsel vm0, v25, v28;
	v12 =	vsel vm3, $0x3F800000, v4;
	vm0 =	vnez.u8 v22  }
0x254: {  	[tilespmem:v2+s11+$0xC180] =	vst.idx.msk $0xffff, v14;
	v14 =	vld [tilespmem:$0x1FAB0];
	v22 =	vimm.s32 $0x0;
	vm10 =	vmand vm10, vm0;
	vm0 =	vge.f32 v31, v26  }
0x255: {  	vm5 =	vnez.u8 v16;
	v18 =	vsel vm0, v31, v26;
	v22 =	vsel vm0, $0xFFFFFFFF, v22  }
0x256: {  	[tilespmem:$0x1FB70] =	vst v22;
	v22 =	vsel vm0, v26, v31;
	vm0 =	vge.f32 v20, v18;
	vm4 =	vge.f32 v21, v18  }
0x257: {  	vm5 =	vmand vm8, vm5;
	vm2 =	vge.f32 v20, v22;
	vm8 =	vmand vm0, vm4  }
0x258: {  	[tilespmem:$0x1FAC0] =	vst v37;
	vm2 =	vmor vm0, vm2;
	vm0 =	vmmov vm1;
	vm1 =	vnez.u8 v11  }
0x259: {  	[tilespmem:v2+s11+$0xC100] =	vst.idx.msk $0xffff, v10;
	v11 =	vsel vm1, $0x3F800000, v4;
	v10 =	vsel vm1, $0x0, v5;
	vm1 =	vnez.u8 v14  }
0x25a: {  	v14 =	vsel vm1, v11, v12;
	v30 =	vsel vm1, v12, v11;
	v11 =	vld [tilespmem:$0x1FAC0];
	_ =	sdelay $0x4  }
0x25b: {  	v16 =	vsel vm3, $0x0, v5;
	vm1 =	vnez.u8 v11  }
0x25c: {  	[tilespmem:$0x1FAF0] =	vst v33;
	v33 =	vsel vm1, v16, v10;
	v32 =	vsel vm1, v10, v16;
	v10 =	vld [tilespmem:$0x1FAD0];
	_ =	sdelay $0x3  }
0x25d: {  	[tilespmem:$0x1FAE0] =	vst v38  }
0x25e: {  	vm1 =	vnez.u8 v10;
	v10 =	vld [tilespmem:$0x1FAE0];
	_ =	sdelay $0x2  }
0x25f: {  	[tilespmem:v3+s11+$0xC100] =	vst.idx.msk $0xffff, v8;
	v8 =	vsel vm13, $0x0, v5  }
0x260: {  	v18 =	vsel vm14, $0x3F800000, v4;
	v21 =	vsel vm14, $0x0, v5;
	v20 =	vsel vm13, $0x3F800000, v4  }
0x261: {  	v31 =	vsel vm1, v18, v20;
	v29 =	vsel vm1, v20, v18;
	vm1 =	vnez.u8 v10  }
0x262: {  	v27 =	vsel vm1, v8, v21;
	v26 =	vsel vm1, v21, v8;
	v8 =	vld [tilespmem:$0x1FAF0];
	_ =	sdelay $0x4  }
0x263: {  	vm1 =	vnez.u8 v8;
	v8 =	vld [tilespmem:$0x1FB00];
	_ =	sdelay $0x3  }
0x264: {  	[tilespmem:v0+s11+$0xC140] =	vst.idx.msk $0xffff, v9;
	v9 =	vsel vm10, $0x3F800000, v4;
	v22 =	vsel vm15, $0x3F800000, v4  }
0x265: {  	v25 =	vsel vm1, v22, v9;
	v24 =	vsel vm1, v9, v22;
	vm1 =	vnez.u8 v8;
	v8 =	vld [tilespmem:$0x1FB10];
	_ =	sdelay $0x2  }
0x266: {  	[tilespmem:v1+s11+$0xC140] =	vst.idx.msk $0xffff, v6;
	v6 =	vsel vm11, $0x3F800000, v4  }
0x267: {  	v62 =	vsel vm9, $0x3F800000, v4;
	v61 =	vsel vm15, $0x0, v5;
	v60 =	vsel vm10, $0x0, v5  }
0x268: {  	v23 =	vsel vm1, v60, v61;
	v22 =	vsel vm1, v61, v60;
	vm1 =	vnez.u8 v8  }
0x269: {  	v21 =	vsel vm1, v6, v62;
	v20 =	vsel vm1, v62, v6;
	v6 =	vld [tilespmem:$0x1FB20];
	_ =	sdelay $0x4  }
0x26a: {  	vm1 =	vnez.u8 v6;
	v6 =	vld [tilespmem:$0x1FB30];
	_ =	sdelay $0x3  }
0x26b: {  	v63 =	vsel vm9, $0x0, v5;
	[tilespmem:v2+s11+$0xC140] =	vst.idx.msk $0xffff, v7;
	v7 =	vsel vm11, $0x0, v5  }
0x26c: {  	v18 =	vsel vm1, v63, v7;
	v16 =	vsel vm1, v7, v63;
	vm1 =	vnez.u8 v6;
	v6 =	vld [tilespmem:$0x1FB40];
	_ =	sdelay $0x3  }
0x26d: {  	v40 =	vsel vm6, $0x3F800000, v4;
	v41 =	vsel vm5, $0x3F800000, v4  }
0x26e: {  	s14 =	sadd.s32 $0x8, s14;
	v12 =	vsel vm1, v40, v41;
	v11 =	vsel vm1, v41, v40;
	vm1 =	vnez.u8 v6;
	v6 =	vld [tilespmem:$0x1FB50]  }
0x26f: {  	p2 =	slt.u32 s14, $0x78;
	v43 =	vsel vm6, $0x0, v5  }
.Ltmp8:
0x270: {  	v44 =	vsel vm7, $0x3F800000, v4;
	v45 =	vsel vm12, $0x3F800000, v4;
	v17 =	vsel vm12, $0x0, v5;
	(pc) =	sbr.rel @p2 .LBB2_15-.Ltmp8, $4  }
0x271: {  	[tilespmem:v3+s11+$0xC140] =	vst.idx.msk $0xffff, v19;
	v19 =	vsel vm7, $0x0, v5;
	v42 =	vsel vm5, $0x0, v5;
	v15 =	vsel vm8, $0x3F800000, v4  }
0x272: {  	v28 =	vsel vm8, $0x0, v5;
	v35 =	vsel vm2, $0x3F800000, v4;
	v34 =	vsel vm2, $0x0, v5  }
0x273: {  	[tilespmem:v3+s11+$0xC180] =	vst.idx.msk $0xffff, v13;
	v10 =	vsel vm1, v42, v43;
	v8 =	vsel vm1, v43, v42;
	vm1 =	vnez.u8 v6  }
0x274: {  	s6 =	sadd.s32 $0x800, s6;
	s11 =	smov.u32 s0;
	v7 =	vsel vm0, v17, v19;
	v9 =	vsel vm1, v44, v45;
	v6 =	vsel vm1, v45, v44  }
0x275: {  	_ =	sdelay $0x3  }
0x276: {  	[tilespmem:v0+s11+$0xC000] =	vst.idx.msk $0xffff, v14  }
0x277: {  	[tilespmem:v0+s11+$0xC040] =	vst.idx.msk $0xffff, v31  }
0x278: {  	[tilespmem:v0+s11+$0xC080] =	vst.idx.msk $0xffff, v25  }
0x279: {  	[tilespmem:v0+s11+$0xC0C0] =	vst.idx.msk $0xffff, v21  }
0x27a: {  	[tilespmem:v0+s11+$0xC100] =	vst.idx.msk $0xffff, v12  }
0x27b: {  	[tilespmem:v0+s11+$0xC140] =	vst.idx.msk $0xffff, v9  }
0x27c: {  	[tilespmem:v1+s11+$0xC000] =	vst.idx.msk $0xffff, v30  }
0x27d: {  	[tilespmem:v1+s11+$0xC040] =	vst.idx.msk $0xffff, v29  }
0x27e: {  	[tilespmem:v1+s11+$0xC080] =	vst.idx.msk $0xffff, v24  }
0x27f: {  	[tilespmem:v1+s11+$0xC0C0] =	vst.idx.msk $0xffff, v20  }
0x280: {  	[tilespmem:v1+s11+$0xC100] =	vst.idx.msk $0xffff, v11  }
0x281: {  	[tilespmem:v1+s11+$0xC140] =	vst.idx.msk $0xffff, v6  }
0x282: {  	[tilespmem:v2+s11+$0xC000] =	vst.idx.msk $0xffff, v33  }
0x283: {  	[tilespmem:v2+s11+$0xC040] =	vst.idx.msk $0xffff, v27  }
0x284: {  	[tilespmem:v2+s11+$0xC080] =	vst.idx.msk $0xffff, v23  }
0x285: {  	[tilespmem:v2+s11+$0xC0C0] =	vst.idx.msk $0xffff, v18  }
0x286: {  	[tilespmem:v2+s11+$0xC100] =	vst.idx.msk $0xffff, v10  }
0x287: {  	[tilespmem:v2+s11+$0xC140] =	vst.idx.msk $0xffff, v7  }
0x288: {  	[tilespmem:v3+s11+$0xC000] =	vst.idx.msk $0xffff, v32  }
0x289: {  	[tilespmem:v3+s11+$0xC040] =	vst.idx.msk $0xffff, v26  }
0x28a: {  	[tilespmem:v3+s11+$0xC080] =	vst.idx.msk $0xffff, v22  }
0x28b: {  	[tilespmem:v3+s11+$0xC0C0] =	vst.idx.msk $0xffff, v16  }
0x28c: {  	[tilespmem:v3+s11+$0xC100] =	vst.idx.msk $0xffff, v8  }
0x28d: {  	v7 =	vld [tilespmem:$0x1FB60];
	_ =	sdelay $0x4  }
0x28e: {  	v6 =	vsel vm0, v19, v17;
	vm14 =	vnez.u8 v7  }
0x28f: {  	[tilespmem:v3+s11+$0xC140] =	vst.idx.msk $0xffff, v6;
	v7 =	vsel vm14, v35, v15  }
0x290: {  	[tilespmem:v0+s11+$0xC180] =	vst.idx.msk $0xffff, v7  }
0x291: {  	v7 =	vld [tilespmem:$0x1FB70];
	_ =	sdelay $0x4  }
.Ltmp9:
0x292: {  	v6 =	vsel vm14, v15, v35;
	vm15 =	vnez.u8 v7;
	(pc) =	sbr.rel @p1 .LBB2_18-.Ltmp9, $4  }
0x293: {  	[tilespmem:v1+s11+$0xC180] =	vst.idx.msk $0xffff, v6;
	v7 =	vsel vm15, v28, v34  }
0x294: {  	s10 =	sor.u32 $0x10, s10;
	v6 =	vsel vm15, v34, v28;
	[tilespmem:v2+s11+$0xC180] =	vst.idx.msk $0xffff, v7  }
0x295: {  	s0 =	sadd.s32 s3, s10;
	[tilespmem:v3+s11+$0xC180] =	vst.idx.msk $0xffff, v6  }
0x296: {  	[hbm4b:s0+s15] =	stream.strided.scatter [tilespmem:s28], [sflag:$0x7], $0x2000, s16, s15, $0x38;
	[tilespmem:$0x10000] =	vst v63  }
.Ltmp10:
0x297: {  	(pc) =	sbr.rel .LBB2_19-.Ltmp10, $4  }
0x298: {  	_ = 	snop  }
0x299: {  	_ =	swait.ge [sflag:s29], $0x2000  }
0x29a: {  	[sflag:s29] =	ssyncset.done $0x0  }
0x29b: {  	[sflag:s29] =	ssyncadd.s32 $0xFFFFE000  }
.LBB2_18:
0x29c: {  	s0 =	sshll.u32 s19, $0xC;
	s6 =	sshll.u32 s19, $0x5  }
0x29d: {  	s0 =	sadd.s32 s5, s0;
	s6 =	sand.u32 $0x60, s6  }
0x29e: {  	s0 =	sand.u32 $0xFFC000, s0;
	s6 =	sadd.s32 s6, s1  }
0x29f: {  	s0 =	sadd.s32 s0, s6  }
.Ltmp11:
0x2a0: {  	s0 =	sadd.s32 $0x10, s0;
	(pc) =	sbr.rel @p0 .LBB2_20-.Ltmp11, $4  }
0x2a1: {  	[tilespmem:s18], [sflag:$0x3] =	stream.strided.gather [hbm4b:s0+s15], $0x2000, s16, s15, $0x38;
	[tilespmem:$0x10000] =	vst v63  }
0x2a2: {  	_ =	swait.ge [sflag:s29], $0x2000  }
0x2a3: {  	[sflag:s29] =	ssyncset.done $0x0  }
0x2a4: {  	[sflag:s29] =	ssyncadd.s32 $0xFFFFE000  }
.LBB2_19:
0x2a5: {  	_ =	swait.ge [sflag:s30], $0x2000  }
0x2a6: {  	[sflag:s30] =	ssyncset.done $0x0  }
0x2a7: {  	[sflag:s30] =	ssyncadd.s32 $0xFFFFE000  }
.LBB2_20:
0x2a8: {  	_ =	sdelay $0x2  }
0x2a9: {  	s11 =	simm.s32 $0x0  }
0x2aa: {  	v6 =	vld.idx.msk [tilespmem:v0+s11+$0x61C0], $0xffff  }
0x2ab: {  	v7 =	vld.idx.msk [tilespmem:v1+s11+$0x61C0], $0xffff  }
0x2ac: {  	v8 =	vld.idx.msk [tilespmem:v2+s11+$0x61C0], $0xffff  }
0x2ad: {  	v9 =	vld.idx.msk [tilespmem:v3+s11+$0x61C0], $0xffff  }
0x2ae: {  	v10 =	vld.idx.msk [tilespmem:v0+s11+$0x6000], $0xffff  }
0x2af: {  	v11 =	vld.idx.msk [tilespmem:v1+s11+$0x6000], $0xffff  }
0x2b0: {  	v12 =	vld.idx.msk [tilespmem:v2+s11+$0x6000], $0xffff  }
0x2b1: {  	v14 =	vld.idx.msk [tilespmem:v3+s11+$0x6000], $0xffff  }
0x2b2: {  	v26 =	vimm.s32 $0x0;
	v15 =	vld.idx.msk [tilespmem:v0+s11+$0x6040], $0xffff;
	vm0 =	vge.f32 v6, v7;
	vm1 =	vge.f32 v8, v9  }
0x2b3: {  	v16 =	vld.idx.msk [tilespmem:v1+s11+$0x6040], $0xffff;
	v13 =	vsel vm0, v6, v7;
	v6 =	vsel vm0, v7, v6;
	v7 =	vsel vm1, v8, v9  }
0x2b4: {  	v17 =	vld.idx.msk [tilespmem:v2+s11+$0x6040], $0xffff;
	vm5 =	vge.f32 v10, v11;
	vm3 =	vge.f32 v6, v7;
	v6 =	vimm.s32 $0x0  }
0x2b5: {  	v18 =	vld.idx.msk [tilespmem:v3+s11+$0x6040], $0xffff;
	v8 =	vsel vm1, v9, v8;
	v20 =	vsel vm5, v10, v11;
	v6 =	vsel vm5, $0xFFFFFFFF, v6  }
0x2b6: {  	v10 =	vsel vm5, v11, v10;
	vm2 =	vge.f32 v13, v7;
	vm4 =	vge.f32 v13, v8;
	[tilespmem:$0x1FA00] =	vst v6  }
0x2b7: {  	vm4 =	vmor vm2, vm4;
	vm2 =	vmand vm2, vm3;
	vm3 =	vge.f32 v12, v14;
	v8 =	vld.idx.msk [tilespmem:v0+s11+$0x6080], $0xffff  }
0x2b8: {  	v7 =	vsel vm4, $0x3F800000, v4;
	v9 =	vsel vm2, $0x3F800000, v4;
	v22 =	vsel vm2, $0x0, v5;
	v19 =	vld.idx.msk [tilespmem:v1+s11+$0x6080], $0xffff  }
0x2b9: {  	v23 =	vsel vm4, $0x0, v5;
	v11 =	vld.idx.msk [tilespmem:v2+s11+$0x6080], $0xffff;
	v6 =	vsel vm0, v7, v9;
	v9 =	vsel vm0, v9, v7  }
0x2ba: {  	v21 =	vld.idx.msk [tilespmem:v3+s11+$0x6080], $0xffff;
	v13 =	vsel vm1, v22, v23;
	v7 =	vsel vm1, v23, v22;
	v22 =	vimm.s32 $0x0  }
0x2bb: {  	vm0 =	vge.f32 v15, v16;
	v24 =	vld.idx.msk [tilespmem:v0+s11+$0x60C0], $0xffff;
	v23 =	vimm.s32 $0x0;
	v22 =	vsel vm3, $0xFFFFFFFF, v22  }
0x2bc: {  	vm2 =	vge.f32 v17, v18;
	v25 =	vld.idx.msk [tilespmem:v1+s11+$0x60C0], $0xffff;
	v23 =	vsel vm0, $0xFFFFFFFF, v23;
	[tilespmem:$0x1FA10] =	vst v22;
	v22 =	vsel vm3, v12, v14  }
0x2bd: {  	v26 =	vsel vm2, $0xFFFFFFFF, v26;
	v12 =	vsel vm3, v14, v12;
	v14 =	vld.idx.msk [tilespmem:v2+s11+$0x60C0], $0xffff;
	[tilespmem:$0x1FA20] =	vst v23;
	v23 =	vsel vm0, v15, v16  }
0x2be: {  	v15 =	vsel vm0, v16, v15;
	v16 =	vld.idx.msk [tilespmem:v3+s11+$0x60C0], $0xffff;
	[tilespmem:$0x1FA30] =	vst v26;
	v26 =	vsel vm2, v17, v18  }
0x2bf: {  	v17 =	vsel vm2, v18, v17;
	v18 =	vimm.s32 $0x0;
	vm1 =	vge.f32 v8, v19  }
0x2c0: {  	v18 =	vsel vm1, $0xFFFFFFFF, v18  }
0x2c1: {  	vm2 =	vge.f32 v10, v22;
	v10 =	vimm.s32 $0x0;
	vm3 =	vge.f32 v11, v21;
	[tilespmem:$0x1FA40] =	vst v18  }
0x2c2: {  	vm0 =	vge.f32 v20, v22;
	v10 =	vsel vm3, $0xFFFFFFFF, v10;
	v18 =	vsel vm1, v8, v19;
	v27 =	vld.idx.msk [tilespmem:v0+s11+$0x6100], $0xffff  }
0x2c3: {  	v8 =	vsel vm1, v19, v8;
	v19 =	vld.idx.msk [tilespmem:v1+s11+$0x6100], $0xffff;
	[tilespmem:$0x1FA50] =	vst v10;
	v10 =	vsel vm3, v11, v21  }
0x2c4: {  	v11 =	vsel vm3, v21, v11;
	vm3 =	vge.f32 v20, v12;
	v21 =	vld.idx.msk [tilespmem:v2+s11+$0x6100], $0xffff;
	vm9 =	vge.f32 v18, v10  }
0x2c5: {  	v12 =	vld.idx.msk [tilespmem:v3+s11+$0x6100], $0xffff;
	vm8 =	vge.f32 v14, v16;
	vm10 =	vge.f32 v8, v10;
	vm1 =	vmor vm0, vm3  }
0x2c6: {  	v22 =	vld.idx.msk [tilespmem:v0+s11+$0x6140], $0xffff;
	v8 =	vsel vm8, v14, v16;
	v10 =	vsel vm8, v16, v14;
	v16 =	vimm.s32 $0x0  }
0x2c7: {  	vm4 =	vge.f32 v23, v26;
	vm7 =	vge.f32 v23, v17;
	v17 =	vld.idx.msk [tilespmem:v1+s11+$0x6140], $0xffff;
	v16 =	vsel vm1, $0xFFFFFFFF, v16  }
0x2c8: {  	vm0 =	vmand vm0, vm2;
	v14 =	vld.idx.msk [tilespmem:v2+s11+$0x6140], $0xffff;
	vm1 =	vmor vm4, vm7;
	[tilespmem:$0x1F9B0] =	vst v16;
	v16 =	vimm.s32 $0x0  }
0x2c9: {  	v16 =	vsel vm0, $0xFFFFFFFF, v16;
	vm0 =	vge.f32 v18, v11;
	v11 =	vimm.s32 $0x0  }
0x2ca: {  	vm14 =	vge.f32 v24, v25;
	vm15 =	vge.f32 v15, v26;
	v11 =	vsel vm1, $0xFFFFFFFF, v11  }
0x2cb: {  	v15 =	vsel vm14, v24, v25;
	vm1 =	vmand vm4, vm15;
	[tilespmem:$0x1F9D0] =	vst v11;
	v11 =	vimm.s32 $0x0  }
0x2cc: {  	v18 =	vimm.s32 $0x0;
	[tilespmem:$0x1F9A0] =	vst v16;
	vm0 =	vmor vm9, vm0;
	v11 =	vsel vm1, $0xFFFFFFFF, v11  }
0x2cd: {  	vm2 =	vge.f32 v15, v8;
	v18 =	vsel vm0, $0xFFFFFFFF, v18;
	vm0 =	vge.f32 v15, v10;
	[tilespmem:$0x1F9C0] =	vst v11  }
0x2ce: {  	v20 =	vsel vm14, v25, v24;
	v15 =	vimm.s32 $0x0;
	vm0 =	vmor vm2, vm0;
	v11 =	vld.idx.msk [tilespmem:v3+s11+$0x6140], $0xffff  }
0x2cf: {  	vm11 =	vge.f32 v27, v19;
	vm12 =	vge.f32 v21, v12;
	v15 =	vsel vm0, $0xFFFFFFFF, v15;
	v16 =	vld.idx.msk [tilespmem:v0+s11+$0x6180], $0xffff;
	[tilespmem:$0x1F9E0] =	vst v18  }
0x2d0: {  	vm13 =	vge.f32 v22, v17;
	vm0 =	vge.f32 v20, v8;
	v10 =	vld.idx.msk [tilespmem:v1+s11+$0x6180], $0xffff;
	[tilespmem:$0x1F9F0] =	vst v15  }
0x2d1: {  	v8 =	vsel vm11, v27, v19;
	v18 =	vsel vm11, v19, v27;
	v19 =	vsel vm12, v21, v12;
	v15 =	vld.idx.msk [tilespmem:v2+s11+$0x6180], $0xffff  }
0x2d2: {  	vm7 =	vmand vm2, vm0;
	v12 =	vsel vm12, v12, v21;
	vm2 =	vge.f32 v8, v19;
	v20 =	vld.idx.msk [tilespmem:v3+s11+$0x6180], $0xffff  }
0x2d3: {  	vm3 =	vge.f32 v18, v19;
	vm0 =	vge.f32 v8, v12;
	v8 =	vsel vm13, v22, v17  }
0x2d4: {  	v12 =	vsel vm13, v17, v22;
	v18 =	vimm.s32 $0x0;
	vm6 =	vmor vm2, vm0  }
0x2d5: {  	vm4 =	vmand vm2, vm3;
	vm0 =	vge.f32 v14, v11;
	vm1 =	vge.f32 v16, v10  }
0x2d6: {  	v17 =	vsel vm0, v14, v11;
	v11 =	vsel vm0, v11, v14;
	v14 =	vsel vm1, v16, v10  }
0x2d7: {  	v18 =	vsel vm1, $0xFFFFFFFF, v18;
	v10 =	vsel vm1, v10, v16;
	vm1 =	vge.f32 v15, v20  }
0x2d8: {  	vm5 =	vge.f32 v8, v17;
	vm3 =	vge.f32 v8, v11;
	v8 =	vimm.s32 $0x0  }
0x2d9: {  	v8 =	vsel vm1, $0xFFFFFFFF, v8  }
0x2da: {  	v16 =	vsel vm1, v15, v20;
	[tilespmem:$0x1F990] =	vst v8;
	v8 =	vsel vm1, v20, v15  }
0x2db: {  	vm15 =	vmand vm9, vm10;
	vm10 =	vge.f32 v14, v16;
	vm1 =	vge.f32 v14, v8  }
0x2dc: {  	v8 =	vimm.s32 $0x0;
	vm1 =	vmor vm10, vm1  }
0x2dd: {  	v8 =	vsel vm1, $0xFFFFFFFF, v8  }
0x2de: {  	[tilespmem:$0x1FA60] =	vst v8;
	v8 =	vld [tilespmem:$0x1F9A0]  }
0x2df: {  	v11 =	vld [tilespmem:$0x1F9B0]  }
0x2e0: {  	v14 =	vld [tilespmem:$0x1F9C0];
	_ =	sdelay $0x2  }
0x2e1: {  	vm9 =	vge.f32 v12, v17;
	vm2 =	vge.f32 v10, v16;
	vm1 =	vnez.u8 v8  }
0x2e2: {  	v8 =	vsel vm1, $0x3F800000, v4;
	v10 =	vsel vm1, $0x0, v5;
	vm1 =	vnez.u8 v11  }
0x2e3: {  	v11 =	vsel vm1, $0x3F800000, v4;
	v12 =	vsel vm1, $0x0, v5;
	vm1 =	vnez.u8 v14;
	v14 =	vld [tilespmem:$0x1F9D0];
	_ =	sdelay $0x4  }
0x2e4: {  	v15 =	vsel vm1, $0x3F800000, v4;
	v16 =	vsel vm1, $0x0, v5;
	vm1 =	vnez.u8 v14;
	v14 =	vld [tilespmem:$0x1F9E0];
	_ =	sdelay $0x4  }
0x2e5: {  	[tilespmem:$0x1F980] =	vst v18;
	v18 =	vsel vm1, $0x3F800000, v4;
	v19 =	vsel vm1, $0x0, v5;
	vm1 =	vnez.u8 v14;
	v14 =	vld [tilespmem:$0x1F9F0];
	_ =	sdelay $0x4  }
0x2e6: {  	v22 =	vsel vm1, $0x3F800000, v4;
	v28 =	vsel vm1, $0x0, v5;
	vm1 =	vnez.u8 v14;
	v14 =	vld [tilespmem:$0x1FA00];
	_ =	sdelay $0x4  }
0x2e7: {  	v36 =	vsel vm1, $0x3F800000, v4;
	v37 =	vsel vm1, $0x0, v5;
	vm1 =	vnez.u8 v14  }
0x2e8: {  	v14 =	vsel vm1, v11, v8;
	v30 =	vsel vm1, v8, v11;
	v8 =	vld [tilespmem:$0x1FA10];
	_ =	sdelay $0x4  }
0x2e9: {  	vm1 =	vnez.u8 v8;
	v8 =	vld [tilespmem:$0x1FA20];
	_ =	sdelay $0x4  }
0x2ea: {  	v33 =	vsel vm1, v10, v12;
	v32 =	vsel vm1, v12, v10;
	vm1 =	vnez.u8 v8;
	v8 =	vld [tilespmem:$0x1FA30];
	_ =	sdelay $0x4  }
0x2eb: {  	v31 =	vsel vm1, v18, v15;
	v29 =	vsel vm1, v15, v18;
	vm1 =	vnez.u8 v8;
	v8 =	vld [tilespmem:$0x1FA40];
	_ =	sdelay $0x1  }
0x2ec: {  	v21 =	vsel vm15, $0x0, v5;
	v34 =	vsel vm7, $0x3F800000, v4;
	v35 =	vsel vm7, $0x0, v5  }
0x2ed: {  	v38 =	vsel vm4, $0x3F800000, v4;
	v39 =	vsel vm4, $0x0, v5;
	v40 =	vsel vm6, $0x3F800000, v4  }
0x2ee: {  	v41 =	vsel vm6, $0x0, v5;
	vm3 =	vmor vm5, vm3;
	vm9 =	vmand vm5, vm9  }
0x2ef: {  	v27 =	vsel vm1, v16, v19;
	v26 =	vsel vm1, v19, v16;
	vm1 =	vnez.u8 v8;
	v8 =	vld [tilespmem:$0x1FA50];
	[tilespmem:v0+s11+$0xE1C0] =	vst.idx.msk $0xffff, v6  }
0x2f0: {  	v20 =	vsel vm15, $0x3F800000, v4;
	v42 =	vsel vm9, $0x3F800000, v4;
	v17 =	vsel vm9, $0x0, v5;
	[tilespmem:v1+s11+$0xE1C0] =	vst.idx.msk $0xffff, v9  }
0x2f1: {  	v63 =	vsel vm3, $0x3F800000, v4;
	vm10 =	vmand vm10, vm2;
	v11 =	vsel vm11, v38, v40;
	[tilespmem:v2+s11+$0xE1C0] =	vst.idx.msk $0xffff, v13  }
0x2f2: {  	v12 =	vsel vm11, v40, v38;
	v10 =	vsel vm12, v39, v41;
	v18 =	vsel vm8, v35, v37;
	v13 =	vld [tilespmem:$0x1FA60]  }
0x2f3: {  	v15 =	vsel vm10, $0x3F800000, v4;
	v16 =	vsel vm8, v37, v35;
	v19 =	vsel vm3, $0x0, v5  }
0x2f4: {  	v6 =	vsel vm13, v42, v63;
	v25 =	vsel vm1, v22, v20;
	v24 =	vsel vm1, v20, v22  }
0x2f5: {  	v20 =	vsel vm14, v34, v36;
	v9 =	vsel vm13, v63, v42;
	[tilespmem:v3+s11+$0xE1C0] =	vst.idx.msk $0xffff, v7;
	vm1 =	vnez.u8 v8  }
0x2f6: {  	v7 =	vsel vm0, v17, v19;
	v8 =	vsel vm12, v41, v39;
	v23 =	vsel vm1, v21, v28  }
0x2f7: {  	v22 =	vsel vm1, v28, v21;
	v21 =	vsel vm14, v36, v34;
	vm1 =	vnez.u8 v13  }
0x2f8: {  	s14 =	simm.s32 $0x0;
	s6 =	simm.s32 $0x800;
	v28 =	vsel vm10, $0x0, v5;
	v35 =	vsel vm1, $0x3F800000, v4;
	v34 =	vsel vm1, $0x0, v5  }
.LBB2_21:
0x2f9: {  	v13 =	vld [tilespmem:$0x1F980];
	_ =	sdelay $0x4  }
0x2fa: {  	v19 =	vsel vm0, v19, v17;
	vm0 =	vnez.u8 v13;
	v13 =	vld [tilespmem:$0x1F990]  }
0x2fb: {  	s0 =	sshra.s32 s6, $0x2;
	[tilespmem:v0+s11+$0xE000] =	vst.idx.msk $0xffff, v14  }
0x2fc: {  	v42 =	vld.idx.msk [tilespmem:v0+s0+$0x61C0], $0xffff;
	[tilespmem:v1+s11+$0xE000] =	vst.idx.msk $0xffff, v30  }
0x2fd: {  	v30 =	vld.idx.msk [tilespmem:v2+s0+$0x61C0], $0xffff;
	[tilespmem:v2+s11+$0xE000] =	vst.idx.msk $0xffff, v33  }
0x2fe: {  	v43 =	vld.idx.msk [tilespmem:v3+s0+$0x61C0], $0xffff;
	[tilespmem:v3+s11+$0xE000] =	vst.idx.msk $0xffff, v32  }
0x2ff: {  	v32 =	vld.idx.msk [tilespmem:v0+s0+$0x6000], $0xffff;
	v17 =	vsel vm0, v35, v15;
	v15 =	vsel vm0, v15, v35;
	vm0 =	vnez.u8 v13  }
0x300: {  	[tilespmem:v0+s11+$0xE040] =	vst.idx.msk $0xffff, v31;
	v14 =	vsel vm0, v28, v34;
	v13 =	vsel vm0, v34, v28;
	v28 =	vld.idx.msk [tilespmem:v1+s0+$0x61C0], $0xffff  }
0x301: {  	[tilespmem:v0+s11+$0xE080] =	vst.idx.msk $0xffff, v25;
	v31 =	vld.idx.msk [tilespmem:v1+s0+$0x6000], $0xffff  }
0x302: {  	[tilespmem:v1+s11+$0xE040] =	vst.idx.msk $0xffff, v29  }
0x303: {  	[tilespmem:v2+s11+$0xE040] =	vst.idx.msk $0xffff, v27;
	v29 =	vld.idx.msk [tilespmem:v2+s0+$0x6000], $0xffff  }
0x304: {  	[tilespmem:v3+s11+$0xE040] =	vst.idx.msk $0xffff, v26;
	v27 =	vld.idx.msk [tilespmem:v3+s0+$0x6000], $0xffff  }
0x305: {  	[tilespmem:v1+s11+$0xE080] =	vst.idx.msk $0xffff, v24;
	v24 =	vld.idx.msk [tilespmem:v2+s0+$0x6040], $0xffff;
	vm0 =	vge.f32 v30, v43;
	vm1 =	vge.f32 v42, v28  }
0x306: {  	v46 =	vld.idx.msk [tilespmem:v3+s0+$0x6040], $0xffff;
	vm5 =	vge.f32 v32, v31;
	v45 =	vsel vm0, v30, v43;
	v44 =	vsel vm1, v42, v28  }
0x307: {  	v30 =	vsel vm0, v43, v30;
	v28 =	vsel vm1, v28, v42;
	vm2 =	vge.f32 v44, v45  }
0x308: {  	v26 =	vld.idx.msk [tilespmem:v0+s0+$0x6040], $0xffff;
	vm3 =	vge.f32 v28, v45;
	vm4 =	vge.f32 v44, v30;
	v28 =	vimm.s32 $0x0  }
0x309: {  	v25 =	vld.idx.msk [tilespmem:v1+s0+$0x6040], $0xffff;
	v28 =	vsel vm5, $0xFFFFFFFF, v28;
	vm4 =	vmor vm2, vm4  }
0x30a: {  	vm2 =	vmand vm2, vm3;
	vm3 =	vge.f32 v29, v27;
	[tilespmem:$0x1F8D0] =	vst v28;
	v30 =	vsel vm4, $0x3F800000, v4  }
0x30b: {  	v28 =	vld.idx.msk [tilespmem:v0+s0+$0x6080], $0xffff;
	[tilespmem:v2+s11+$0xE080] =	vst.idx.msk $0xffff, v23;
	v47 =	vsel vm2, $0x3F800000, v4;
	v37 =	vsel vm2, $0x0, v5;
	vm2 =	vge.f32 v24, v46  }
0x30c: {  	v52 =	vimm.s32 $0x0;
	v53 =	vsel vm3, v29, v27;
	v27 =	vsel vm3, v27, v29;
	v23 =	vld.idx.msk [tilespmem:v1+s0+$0x6080], $0xffff;
	[tilespmem:v3+s11+$0xE080] =	vst.idx.msk $0xffff, v22  }
0x30d: {  	v22 =	vsel vm5, v32, v31;
	v31 =	vsel vm5, v31, v32;
	v49 =	vsel vm1, v30, v47  }
0x30e: {  	v38 =	vsel vm4, $0x0, v5;
	v30 =	vsel vm1, v47, v30;
	vm1 =	vge.f32 v26, v25;
	[tilespmem:v0+s0+$0xE1C0] =	vst.idx.msk $0xffff, v49  }
0x30f: {  	v54 =	vimm.s32 $0x0;
	v55 =	vsel vm2, v24, v46;
	v48 =	vld.idx.msk [tilespmem:v2+s0+$0x6080], $0xffff;
	[tilespmem:v1+s0+$0xE1C0] =	vst.idx.msk $0xffff, v30;
	v30 =	vsel vm0, v37, v38  }
0x310: {  	v56 =	vimm.s32 $0x0;
	v24 =	vsel vm2, v46, v24;
	v36 =	vld.idx.msk [tilespmem:v3+s0+$0x6080], $0xffff;
	[tilespmem:v2+s0+$0xE1C0] =	vst.idx.msk $0xffff, v30;
	v30 =	vsel vm0, v38, v37  }
0x311: {  	vm4 =	vge.f32 v31, v53;
	v31 =	vimm.s32 $0x0;
	[tilespmem:v3+s0+$0xE1C0] =	vst.idx.msk $0xffff, v30;
	v30 =	vimm.s32 $0x0  }
0x312: {  	vm5 =	vge.f32 v22, v27;
	v37 =	vsel vm3, $0xFFFFFFFF, v52;
	v30 =	vsel vm1, $0xFFFFFFFF, v30  }
0x313: {  	v50 =	vld.idx.msk [tilespmem:v0+s0+$0x60C0], $0xffff;
	v38 =	vsel vm2, $0xFFFFFFFF, v54;
	vm0 =	vge.f32 v28, v23;
	[tilespmem:$0x1F8F0] =	vst v30;
	v30 =	vsel vm1, v26, v25  }
0x314: {  	v51 =	vld.idx.msk [tilespmem:v1+s0+$0x60C0], $0xffff;
	v25 =	vsel vm1, v25, v26;
	v33 =	vsel vm0, $0xFFFFFFFF, v56;
	v57 =	vsel vm0, v28, v23  }
0x315: {  	v39 =	vld.idx.msk [tilespmem:v0+s0+$0x6100], $0xffff;
	vm1 =	vge.f32 v22, v53;
	vm2 =	vge.f32 v48, v36;
	v23 =	vsel vm0, v23, v28  }
0x316: {  	v29 =	vld.idx.msk [tilespmem:v2+s0+$0x60C0], $0xffff;
	v22 =	vimm.s32 $0x0;
	v31 =	vsel vm2, $0xFFFFFFFF, v31;
	v32 =	vsel vm2, v36, v48  }
0x317: {  	v26 =	vld.idx.msk [tilespmem:v3+s0+$0x60C0], $0xffff;
	vm0 =	vge.f32 v30, v55;
	vm11 =	vge.f32 v25, v55;
	vm3 =	vge.f32 v30, v24  }
0x318: {  	v28 =	vld.idx.msk [tilespmem:v1+s0+$0x6100], $0xffff;
	v24 =	vimm.s32 $0x0;
	v30 =	vimm.s32 $0x0;
	vm5 =	vmor vm1, vm5  }
0x319: {  	vm1 =	vmand vm1, vm4;
	[tilespmem:$0x1F920] =	vst v31;
	v31 =	vsel vm2, v48, v36;
	vm2 =	vge.f32 v50, v51  }
0x31a: {  	vm12 =	vge.f32 v57, v32;
	v22 =	vsel vm2, $0xFFFFFFFF, v22;
	v25 =	vsel vm2, v50, v51  }
0x31b: {  	v58 =	vld.idx.msk [tilespmem:v2+s0+$0x6100], $0xffff;
	v27 =	vsel vm2, v51, v50;
	vm6 =	vge.f32 v23, v31;
	v23 =	vimm.s32 $0x0  }
0x31c: {  	vm10 =	vge.f32 v57, v31;
	v31 =	vimm.s32 $0x0;
	[tilespmem:$0x1F930] =	vst v22;
	v22 =	vld.idx.msk [tilespmem:v3+s0+$0x6100], $0xffff;
	v23 =	vsel vm6, $0xFFFFFFFF, v23  }
0x31d: {  	[tilespmem:v0+s11+$0xE0C0] =	vst.idx.msk $0xffff, v21;
	v31 =	vsel vm5, $0xFFFFFFFF, v31;
	vm2 =	vge.f32 v29, v26;
	vm14 =	vge.f32 v39, v28  }
0x31e: {  	v59 =	vld.idx.msk [tilespmem:v0+s0+$0x6140], $0xffff;
	[tilespmem:$0x1F890] =	vst v23;
	v24 =	vsel vm2, $0xFFFFFFFF, v24;
	v23 =	vsel vm2, v29, v26;
	v26 =	vsel vm2, v26, v29  }
0x31f: {  	v30 =	vsel vm14, $0xFFFFFFFF, v30;
	[tilespmem:$0x1F940] =	vst v24;
	v24 =	vld.idx.msk [tilespmem:v1+s0+$0x6140], $0xffff;
	vm2 =	vge.f32 v25, v23;
	vm9 =	vge.f32 v27, v23  }
0x320: {  	[tilespmem:v1+s11+$0xE0C0] =	vst.idx.msk $0xffff, v20;
	v29 =	vld.idx.msk [tilespmem:v2+s0+$0x6140], $0xffff;
	v23 =	vsel vm14, v39, v28;
	vm5 =	vge.f32 v25, v26;
	v26 =	vimm.s32 $0x0  }
0x321: {  	[tilespmem:$0x1F950] =	vst v30;
	v30 =	vld.idx.msk [tilespmem:v3+s0+$0x6140], $0xffff;
	v25 =	vimm.s32 $0x0;
	v26 =	vsel vm1, $0xFFFFFFFF, v26;
	vm15 =	vge.f32 v58, v22  }
0x322: {  	v27 =	vsel vm14, v28, v39;
	[tilespmem:$0x1F8C0] =	vst v26;
	v25 =	vsel vm15, $0xFFFFFFFF, v25;
	v26 =	vsel vm15, v58, v22  }
0x323: {  	[tilespmem:v2+s11+$0xE0C0] =	vst.idx.msk $0xffff, v18;
	vm8 =	vge.f32 v23, v26;
	vm1 =	vge.f32 v27, v26;
	v26 =	vimm.s32 $0x0  }
0x324: {  	v28 =	vld.idx.msk [tilespmem:v0+s0+$0x6180], $0xffff;
	v22 =	vsel vm15, v22, v58;
	[tilespmem:$0x1F960] =	vst v25;
	v26 =	vsel vm1, $0xFFFFFFFF, v26;
	vm1 =	vge.f32 v59, v24  }
0x325: {  	v25 =	vld.idx.msk [tilespmem:v1+s0+$0x6180], $0xffff;
	vm6 =	vge.f32 v23, v22;
	[tilespmem:$0x1F8A0] =	vst v26;
	v26 =	vimm.s32 $0x0;
	v22 =	vsel vm1, v59, v24  }
0x326: {  	[tilespmem:$0x1F8B0] =	vst v31;
	v31 =	vld.idx.msk [tilespmem:v2+s0+$0x6180], $0xffff;
	v23 =	vsel vm1, v24, v59;
	v26 =	vsel vm1, $0xFFFFFFFF, v26;
	vm1 =	vge.f32 v29, v30  }
0x327: {  	vm13 =	vmand vm0, vm11;
	[tilespmem:v0+s11+$0xE100] =	vst.idx.msk $0xffff, v12;
	v12 =	vld [tilespmem:$0x1F8C0];
	v21 =	vsel vm1, v29, v30;
	v24 =	vsel vm1, v30, v29  }
0x328: {  	[tilespmem:v3+s11+$0xE0C0] =	vst.idx.msk $0xffff, v16;
	vm14 =	vmor vm0, vm3;
	vm3 =	vge.f32 v22, v21;
	vm7 =	vge.f32 v22, v24;
	v22 =	vld [tilespmem:$0x1F890]  }
0x329: {  	vm11 =	vmor vm2, vm5;
	vm9 =	vmand vm2, vm9;
	vm15 =	vmor vm10, vm12;
	[tilespmem:$0x1F970] =	vst v26;
	v26 =	vld.idx.msk [tilespmem:v3+s0+$0x6180], $0xffff  }
0x32a: {  	[tilespmem:v1+s11+$0xE100] =	vst.idx.msk $0xffff, v11;
	v16 =	vld [tilespmem:$0x1F8A0];
	vm12 =	vge.f32 v23, v21;
	vm0 =	vge.f32 v28, v25;
	v21 =	vimm.s32 $0x0  }
0x32b: {  	vm6 =	vmor vm8, vm6;
	[tilespmem:v0+s11+$0xE180] =	vst.idx.msk $0xffff, v17;
	v20 =	vsel vm0, v28, v25;
	v21 =	vsel vm0, $0xFFFFFFFF, v21  }
0x32c: {  	[tilespmem:v1+s11+$0xE180] =	vst.idx.msk $0xffff, v15;
	vm7 =	vmor vm3, vm7;
	vm12 =	vmand vm3, vm12;
	vm3 =	vnez.u8 v12  }
0x32d: {  	v11 =	vld [tilespmem:$0x1F8B0];
	[tilespmem:$0x1F980] =	vst v21;
	v21 =	vsel vm0, v25, v28;
	v12 =	vsel vm3, $0x3F800000, v4;
	vm0 =	vnez.u8 v22  }
0x32e: {  	[tilespmem:v2+s11+$0xE180] =	vst.idx.msk $0xffff, v14;
	v14 =	vld [tilespmem:$0x1F8D0];
	v22 =	vimm.s32 $0x0;
	vm10 =	vmand vm10, vm0;
	vm0 =	vge.f32 v31, v26  }
0x32f: {  	vm5 =	vnez.u8 v16;
	v18 =	vsel vm0, v31, v26;
	v22 =	vsel vm0, $0xFFFFFFFF, v22  }
0x330: {  	[tilespmem:$0x1F990] =	vst v22;
	v22 =	vsel vm0, v26, v31;
	vm0 =	vge.f32 v20, v18;
	vm4 =	vge.f32 v21, v18  }
0x331: {  	vm5 =	vmand vm8, vm5;
	vm2 =	vge.f32 v20, v22;
	vm8 =	vmand vm0, vm4  }
0x332: {  	[tilespmem:$0x1F8E0] =	vst v37;
	vm2 =	vmor vm0, vm2;
	vm0 =	vmmov vm1;
	vm1 =	vnez.u8 v11  }
0x333: {  	[tilespmem:v2+s11+$0xE100] =	vst.idx.msk $0xffff, v10;
	v11 =	vsel vm1, $0x3F800000, v4;
	v10 =	vsel vm1, $0x0, v5;
	vm1 =	vnez.u8 v14  }
0x334: {  	v14 =	vsel vm1, v11, v12;
	v30 =	vsel vm1, v12, v11;
	v11 =	vld [tilespmem:$0x1F8E0];
	_ =	sdelay $0x4  }
0x335: {  	v16 =	vsel vm3, $0x0, v5;
	vm1 =	vnez.u8 v11  }
0x336: {  	[tilespmem:$0x1F910] =	vst v33;
	v33 =	vsel vm1, v16, v10;
	v32 =	vsel vm1, v10, v16;
	v10 =	vld [tilespmem:$0x1F8F0];
	_ =	sdelay $0x3  }
0x337: {  	[tilespmem:$0x1F900] =	vst v38  }
0x338: {  	vm1 =	vnez.u8 v10;
	v10 =	vld [tilespmem:$0x1F900];
	_ =	sdelay $0x2  }
0x339: {  	[tilespmem:v3+s11+$0xE100] =	vst.idx.msk $0xffff, v8;
	v8 =	vsel vm13, $0x0, v5  }
0x33a: {  	v18 =	vsel vm14, $0x3F800000, v4;
	v21 =	vsel vm14, $0x0, v5;
	v20 =	vsel vm13, $0x3F800000, v4  }
0x33b: {  	v31 =	vsel vm1, v18, v20;
	v29 =	vsel vm1, v20, v18;
	vm1 =	vnez.u8 v10  }
0x33c: {  	v27 =	vsel vm1, v8, v21;
	v26 =	vsel vm1, v21, v8;
	v8 =	vld [tilespmem:$0x1F910];
	_ =	sdelay $0x4  }
0x33d: {  	vm1 =	vnez.u8 v8;
	v8 =	vld [tilespmem:$0x1F920];
	_ =	sdelay $0x3  }
0x33e: {  	[tilespmem:v0+s11+$0xE140] =	vst.idx.msk $0xffff, v9;
	v9 =	vsel vm10, $0x3F800000, v4;
	v22 =	vsel vm15, $0x3F800000, v4  }
0x33f: {  	v25 =	vsel vm1, v22, v9;
	v24 =	vsel vm1, v9, v22;
	vm1 =	vnez.u8 v8;
	v8 =	vld [tilespmem:$0x1F930];
	_ =	sdelay $0x2  }
0x340: {  	[tilespmem:v1+s11+$0xE140] =	vst.idx.msk $0xffff, v6;
	v6 =	vsel vm11, $0x3F800000, v4  }
0x341: {  	v62 =	vsel vm9, $0x3F800000, v4;
	v61 =	vsel vm15, $0x0, v5;
	v60 =	vsel vm10, $0x0, v5  }
0x342: {  	v23 =	vsel vm1, v60, v61;
	v22 =	vsel vm1, v61, v60;
	vm1 =	vnez.u8 v8  }
0x343: {  	v21 =	vsel vm1, v6, v62;
	v20 =	vsel vm1, v62, v6;
	v6 =	vld [tilespmem:$0x1F940];
	_ =	sdelay $0x4  }
0x344: {  	vm1 =	vnez.u8 v6;
	v6 =	vld [tilespmem:$0x1F950];
	_ =	sdelay $0x3  }
0x345: {  	v63 =	vsel vm9, $0x0, v5;
	[tilespmem:v2+s11+$0xE140] =	vst.idx.msk $0xffff, v7;
	v7 =	vsel vm11, $0x0, v5  }
0x346: {  	v18 =	vsel vm1, v63, v7;
	v16 =	vsel vm1, v7, v63;
	vm1 =	vnez.u8 v6;
	v6 =	vld [tilespmem:$0x1F960];
	_ =	sdelay $0x3  }
0x347: {  	v40 =	vsel vm6, $0x3F800000, v4;
	v41 =	vsel vm5, $0x3F800000, v4  }
0x348: {  	s14 =	sadd.s32 $0x8, s14;
	v12 =	vsel vm1, v40, v41;
	v11 =	vsel vm1, v41, v40;
	vm1 =	vnez.u8 v6;
	v6 =	vld [tilespmem:$0x1F970]  }
0x349: {  	p0 =	slt.u32 s14, $0x78;
	v43 =	vsel vm6, $0x0, v5  }
.Ltmp12:
0x34a: {  	v44 =	vsel vm7, $0x3F800000, v4;
	v45 =	vsel vm12, $0x3F800000, v4;
	v17 =	vsel vm12, $0x0, v5;
	(pc) =	sbr.rel @p0 .LBB2_21-.Ltmp12, $4  }
0x34b: {  	[tilespmem:v3+s11+$0xE140] =	vst.idx.msk $0xffff, v19;
	v19 =	vsel vm7, $0x0, v5;
	v42 =	vsel vm5, $0x0, v5;
	v15 =	vsel vm8, $0x3F800000, v4  }
0x34c: {  	v28 =	vsel vm8, $0x0, v5;
	v35 =	vsel vm2, $0x3F800000, v4;
	v34 =	vsel vm2, $0x0, v5  }
0x34d: {  	[tilespmem:v3+s11+$0xE180] =	vst.idx.msk $0xffff, v13;
	v10 =	vsel vm1, v42, v43;
	v8 =	vsel vm1, v43, v42;
	vm1 =	vnez.u8 v6  }
0x34e: {  	s6 =	sadd.s32 $0x800, s6;
	s11 =	smov.u32 s0;
	v7 =	vsel vm0, v17, v19;
	v9 =	vsel vm1, v44, v45;
	v6 =	vsel vm1, v45, v44  }
0x34f: {  	_ =	sdelay $0x3  }
0x350: {  	[tilespmem:v0+s11+$0xE000] =	vst.idx.msk $0xffff, v14  }
0x351: {  	[tilespmem:v0+s11+$0xE040] =	vst.idx.msk $0xffff, v31  }
0x352: {  	[tilespmem:v0+s11+$0xE080] =	vst.idx.msk $0xffff, v25  }
0x353: {  	[tilespmem:v0+s11+$0xE0C0] =	vst.idx.msk $0xffff, v21  }
0x354: {  	[tilespmem:v0+s11+$0xE100] =	vst.idx.msk $0xffff, v12  }
0x355: {  	[tilespmem:v0+s11+$0xE140] =	vst.idx.msk $0xffff, v9  }
0x356: {  	[tilespmem:v1+s11+$0xE000] =	vst.idx.msk $0xffff, v30  }
0x357: {  	[tilespmem:v1+s11+$0xE040] =	vst.idx.msk $0xffff, v29  }
0x358: {  	[tilespmem:v1+s11+$0xE080] =	vst.idx.msk $0xffff, v24  }
0x359: {  	[tilespmem:v1+s11+$0xE0C0] =	vst.idx.msk $0xffff, v20  }
0x35a: {  	[tilespmem:v1+s11+$0xE100] =	vst.idx.msk $0xffff, v11  }
0x35b: {  	[tilespmem:v1+s11+$0xE140] =	vst.idx.msk $0xffff, v6  }
0x35c: {  	[tilespmem:v2+s11+$0xE000] =	vst.idx.msk $0xffff, v33  }
0x35d: {  	[tilespmem:v2+s11+$0xE040] =	vst.idx.msk $0xffff, v27  }
0x35e: {  	[tilespmem:v2+s11+$0xE080] =	vst.idx.msk $0xffff, v23  }
0x35f: {  	[tilespmem:v2+s11+$0xE0C0] =	vst.idx.msk $0xffff, v18  }
0x360: {  	[tilespmem:v2+s11+$0xE100] =	vst.idx.msk $0xffff, v10  }
0x361: {  	[tilespmem:v2+s11+$0xE140] =	vst.idx.msk $0xffff, v7  }
0x362: {  	[tilespmem:v3+s11+$0xE000] =	vst.idx.msk $0xffff, v32  }
0x363: {  	[tilespmem:v3+s11+$0xE040] =	vst.idx.msk $0xffff, v26  }
0x364: {  	[tilespmem:v3+s11+$0xE080] =	vst.idx.msk $0xffff, v22  }
0x365: {  	[tilespmem:v3+s11+$0xE0C0] =	vst.idx.msk $0xffff, v16  }
0x366: {  	[tilespmem:v3+s11+$0xE100] =	vst.idx.msk $0xffff, v8  }
0x367: {  	v7 =	vld [tilespmem:$0x1F980];
	_ =	sdelay $0x4  }
0x368: {  	v6 =	vsel vm0, v19, v17;
	vm14 =	vnez.u8 v7  }
0x369: {  	[tilespmem:v3+s11+$0xE140] =	vst.idx.msk $0xffff, v6;
	v7 =	vsel vm14, v35, v15  }
0x36a: {  	[tilespmem:v0+s11+$0xE180] =	vst.idx.msk $0xffff, v7  }
0x36b: {  	v7 =	vld [tilespmem:$0x1F990];
	_ =	sdelay $0x4  }
0x36c: {  	v6 =	vsel vm14, v15, v35;
	vm15 =	vnez.u8 v7  }
0x36d: {  	[tilespmem:v1+s11+$0xE180] =	vst.idx.msk $0xffff, v6;
	v7 =	vsel vm15, v28, v34  }
0x36e: {  	v6 =	vsel vm15, v34, v28;
	[tilespmem:v2+s11+$0xE180] =	vst.idx.msk $0xffff, v7  }
0x36f: {  	p0 =	seq.s32 s9, $0x3F;
	s0 =	sadd.s32 s10, s13;
	[tilespmem:v3+s11+$0xE180] =	vst.idx.msk $0xffff, v6  }
0x370: {  	[hbm4b:s0+s15] =	stream.strided.scatter [tilespmem:s31], [sflag:$0x8], $0x2000, s16, s15, $0x38;
	[tilespmem:$0x10000] =	vst v63  }
0x371: {  	s0 =	sshll.u32 @!p0 s19, $0xC  }
0x372: {  	s6 =	sshll.u32 @!p0 s19, $0x5;
	s0 =	sadd.s32 @!p0 s5, s0  }
0x373: {  	s6 =	sand.u32 @!p0 $0x60, s6;
	s0 =	sand.u32 @!p0 $0xFFC000, s0  }
0x374: {  	s9 =	simm.s32 @!p0 $0x400;
	s10 =	simm.s32 @!p0 $0x6000;
	s0 =	sor.u32 @!p0 s0, s6  }
0x375: {  	p1 =	sne.s32 @!p0 s19, $0x40;
	s6 =	simm.s32 @!p0 $0x80;
	s0 =	sadd.s32 @!p0 s0, s8  }
0x376: {  	[tilespmem:s10], [sflag:$0x4] =	stream.strided.gather @!p0 [hbm4b:s0+s6], $0x2000, s9, s6, $0x38;
	[tilespmem:$0x10000] =	vst v63  }
0x377: {  	p0 =	por p0, !p1  }
.Ltmp13:
0x378: {  	_ = 	snop;
	(pc) =	sbr.rel @!p0 .LBB2_2-.Ltmp13, $2  }
0x379: {  	_ =	sdelay $0x2  }
0x37a: {  	s9 =	smov.u32 s19  }
0x37b: {  	s0 =	simm.s32 $0x5  }
0x37c: {  	_ =	swait.ge [sflag:s0], $0x2000  }
0x37d: {  	[sflag:s0] =	ssyncset.done $0x0  }
0x37e: {  	[sflag:s0] =	ssyncadd.s32 $0xFFFFE000  }
0x37f: {  	_ =	swait.ge [sflag:s23], $0x2000  }
0x380: {  	[sflag:s23] =	ssyncset.done $0x0  }
0x381: {  	[sflag:s23] =	ssyncadd.s32 $0xFFFFE000  }
0x382: {  	_ =	swait.ge [sflag:s26], $0x2000  }
0x383: {  	[sflag:s26] =	ssyncset.done $0x0  }
0x384: {  	[sflag:s26] =	ssyncadd.s32 $0xFFFFE000  }
0x385: {  	_ =	swait.ge [sflag:s30], $0x2000  }
0x386: {  	s2 =	sadd.s32 $0x1, s2;
	s19 =	rddreg [dreg:$0x7]  }
0x387: {  	p0 =	sne.s32 s2, s19  }
.Ltmp14:
0x388: {  	_ = 	snop;
	(pc) =	sbr.rel @p0 .LBB2_1-.Ltmp14, $3  }
0x389: {  	_ =	sdelay $0x1  }
0x38a: {  	[sflag:s30] =	ssyncset.done $0x0  }
0x38b: {  	[sflag:s30] =	ssyncadd.s32 $0xFFFFE000  }
0x38c: {  	_ =	sfence.sel $0x180000  }
0x38d: {  	[bflag:$0x0] =	sbarrier.arrive $0xFFFF  }
0x38e: {  	_ =	strace $0x90000047  }
0x38f: {  	s0 =	stileid.u32;
	[bflag:$0x2] =	sbarrier.arrive $0xFFFF  }
0x390: {  	p0 =	sne.s32 s0, $0x0;
	s0 =	rddreg [dreg:$0x2]  }
0x391: {  	s0 =	sadd.s32 @!p0 $0x100000, s0  }
0x392: {  	[sflag:s0] =	ssyncadd.tile.s32 @!p0 $0x1;
	_ =	shalt  }
.Lfunc_end2:
_tile_overlayer_lowered:
.L_overlay_start_2:
0x393: {  	(tag) =	ssettag $0x2  }
0x394: {  	s0 =	rddreg [dreg:$0x0];
	s2 =	stileid.u32  }
0x395: {  	s1 =	rddreg [dreg:$0x1];
	p0 =	sne.s32 s2, $0x0  }
0x396: {  	s3 =	rddreg [dreg:$0x2];
	[bflag:$0x3] =	sbarrier.arrive $0xFFFF;
	s2 =	simm.s32 @!p0 $0x1C09  }
0x397: {  	[timem:s3], [sflag:s2] =	dma.local @!p0 [hbm:s0], s1  }
0x398: {  	s0 =	simm.s32 @!p0 $0x9  }
0x399: {  	_ =	swait.ge @!p0 [sflag:s0], s1  }
0x39a: {  	s1 =	ssub.s32 @!p0 $0x0, s1;
	[sflag:s0] =	ssyncset.done @!p0 $0x0  }
0x39b: {  	[sflag:s0] =	ssyncadd.s32 @!p0 s1  }
0x39c: {  	[bflag:$0x3] =	sbarrier.arrive $0xFFFF  }
0x39d: {  	_ =	shalt  }

</sc_bundles>
